<compile_context>
chip_gen: v7x
topology: tpu7x:2x2x1
jax: 0.10.2.dev20260603
libtpu: 0.0.44.dev20260713+nightly
codegen_flags: <defaults>
</compile_context>

<pallas_src>
import functools

import jax
import jax.numpy as jnp
from jax import lax
from jax.experimental import pallas as pl
from jax.experimental.pallas import tpu as pltpu
from jax.experimental.pallas import tpu_sc as plsc

L = 16
NW = 32
TICK = 128
GROUPS = TICK // L


def _sqrt16(x):
    i = lax.bitcast_convert_type(x, jnp.int32)
    magic = jnp.full((L,), 0x5F3759DF, dtype=jnp.int32)
    r = lax.bitcast_convert_type(magic - lax.shift_right_logical(i, 1),
                                 jnp.float32)
    half = x * jnp.float32(0.5)
    c15 = jnp.full((L,), 1.5, dtype=jnp.float32)
    for _ in range(3):
        r = r * (c15 - half * r * r)
    return x * r


def _make_sc_kernel(n_idx, n_val_pad, t_per_w):
    groups1 = t_per_w // L
    cap = t_per_w + TICK + L
    mesh = plsc.VectorSubcoreMesh(core_axis_name="c", subcore_axis_name="s")

    @functools.partial(
        pl.kernel,
        mesh=mesh,
        compiler_params=pltpu.CompilerParams(
            needs_layout_passes=False, use_tc_tiling_on_sc=False),
        out_type=jax.ShapeDtypeStruct((NW, 2, L), jnp.float32),
        scratch_types=[
            pltpu.VMEM((n_idx,), jnp.int32),
            pltpu.VMEM((n_val_pad,), jnp.int32),
            pltpu.VMEM((t_per_w,), jnp.int32),
            pltpu.VMEM((t_per_w,), jnp.int32),
            pltpu.VMEM((t_per_w,), jnp.int32),
            pltpu.VMEM((cap,), jnp.int32),
            pltpu.VMEM((cap,), jnp.int32),
            pltpu.VMEM((cap,), jnp.int32),
            pltpu.VMEM((cap,), jnp.float32),
            pltpu.VMEM((2 * TICK, L), jnp.float32),
            pltpu.VMEM((2 * TICK, L), jnp.float32),
            pltpu.VMEM((2 * TICK, L), jnp.float32),
            pltpu.VMEM((2, L), jnp.float32),
            pltpu.SemaphoreType.DMA,
            pltpu.SemaphoreType.DMA,
        ],
    )
    def sc_kernel(z_hbm, ind_hbm, val_hbm, a_hbm, p_hbm, n_hbm, out_hbm,
                  ind_v, val_v, av, pv, nv, ca, cp, cn, cm,
                  zab, zpb, znb, outst, sem0, sem1):
        cid = lax.axis_index("c")
        sid = lax.axis_index("s")
        wid = cid * (NW // 2) + sid

        pltpu.sync_copy(a_hbm.at[wid], av)

        iota = lax.iota(jnp.int32, L)
        zero_f = jnp.zeros((L,), jnp.float32)
        zero_i = jnp.zeros((L,), jnp.int32)
        one_f = jnp.full((L,), 1.0, dtype=jnp.float32)

        @plsc.parallel_loop(0, groups1 * 0, carry=jnp.int32(0), unroll=4)
        def off(t, off):
            sl = pl.ds(t * L, L)
            a16 = av[sl]
            p16 = pv[sl]
            n16 = nv[sl]
            opa = plsc.load_gather(ind_v, [a16])
            opp = plsc.load_gather(ind_v, [p16])
            opn = plsc.load_gather(ind_v, [n16])
            vp = plsc.load_gather(val_v, [lax.abs(opa - opp)])
            vn = plsc.load_gather(val_v, [lax.abs(opa - opn)])
            valid = jnp.logical_and(
                vp > vn, jnp.logical_and(a16 != p16, a16 != n16))
            margin = (jnp.float32(0.1) +
                      jnp.float32(0.05) * lax.abs(vp - vn).astype(jnp.float32))
            dst = pl.ds(off, L)
            plsc.store_compressed(ca.at[dst], a16, mask=valid)
            plsc.store_compressed(cp.at[dst], p16, mask=valid)
            plsc.store_compressed(cn.at[dst], n16, mask=valid)
            plsc.store_compressed(cm.at[dst], margin, mask=valid)
            return off + jnp.sum(valid.astype(jnp.int32))

        for i in range(TICK // L):
            tsl = pl.ds(off + i * L, L)
            ca[tsl] = zero_i
            cp[tsl] = zero_i
            cn[tsl] = zero_i
            cm[tsl] = zero_f

        nt2 = lax.div(off + TICK - 1, jnp.int32(TICK))

        def copies(j, buf, sem):
            src = pl.ds(j * TICK, TICK)
            dst = pl.ds(buf * TICK, TICK)
            return (
                pltpu.make_async_copy(z_hbm.at[ca.at[src]], zab.at[dst], sem),
                pltpu.make_async_copy(z_hbm.at[cp.at[src]], zpb.at[dst], sem),
                pltpu.make_async_copy(z_hbm.at[cn.at[src]], znb.at[dst], sem),
            )

        def fire(j, buf, sem):
            for c in copies(j, buf, sem):
                c.start()

        def drain(j, buf, sem):
            for c in copies(j, buf, sem):
                c.wait()

        @pl.when(nt2 > 0)
        def _():
            fire(0, 0, sem0)

        def body2(j, sum_acc):
            b = lax.rem(j, 2)

            @pl.when(jnp.logical_and(b == 0, j + 1 < nt2))
            def _():
                fire(j + 1, 1, sem1)

            @pl.when(jnp.logical_and(b == 1, j + 1 < nt2))
            def _():
                fire(j + 1, 0, sem0)

            @pl.when(b == 0)
            def _():
                drain(j, 0, sem0)

            @pl.when(b == 1)
            def _():
                drain(j, 1, sem1)

            row0 = b * TICK

            @plsc.parallel_loop(0, GROUPS, carry=sum_acc, unroll=2)
            def sum_acc(g, acc):
                rows = row0 + g * L + iota
                accp = zero_f
                accn = zero_f
                for d in range(L):
                    dcol = lax.bitwise_and(iota + d, jnp.int32(L - 1))
                    za = plsc.load_gather(zab, [rows, dcol])
                    zp = plsc.load_gather(zpb, [rows, dcol])
                    zn = plsc.load_gather(znb, [rows, dcol])
                    tp = za - zp
                    accp = accp + tp * tp
                    tn = za - zn
                    accn = accn + tn * tn

                dlp = _sqrt16(accp)
                dln = _sqrt16(accn)
                m16 = cm[pl.ds(j * TICK + g * L, L)]
                per = jnp.maximum(dlp - dln + m16, zero_f)
                return acc + per
            return sum_acc

        sum_acc = lax.fori_loop(0, nt2, body2, zero_f)

        outst[0, :] = sum_acc
        outst[1, :] = jnp.full((L,), 1.0, jnp.float32) * off.astype(jnp.float32)
        pltpu.sync_copy(outst, out_hbm.at[wid])

    return sc_kernel


def kernel(z, indices, valuations):
    batch = z.shape[0]
    n = min(100000, batch * (batch - 1) * (batch - 2) // 6)

    key = jax.random.key(42)
    ka, kp, kn = jax.random.split(key, 3)
    anchor = jax.random.randint(ka, (n,), 0, batch)
    pos = jax.random.randint(kp, (n,), 0, batch)
    neg = jax.random.randint(kn, (n,), 0, batch)

    chunk = NW * TICK
    n_pad = ((n + chunk - 1) // chunk) * chunk
    t_per_w = n_pad // NW

    def prep(x):
        x = jnp.concatenate(
            [x.astype(jnp.int32), jnp.zeros((n_pad - n,), jnp.int32)])
        return x.reshape(NW, t_per_w)

    a_arr = prep(anchor)
    p_arr = prep(pos)
    n_arr = prep(neg)

    n_val = valuations.shape[0]
    n_val_pad = ((n_val + 127) // 128) * 128
    val_pad = jnp.concatenate(
        [valuations.astype(jnp.int32),
         jnp.zeros((n_val_pad - n_val,), jnp.int32)])

    sc_kernel = _make_sc_kernel(indices.shape[0], n_val_pad, t_per_w)
    parts = sc_kernel(z, indices.astype(jnp.int32), val_pad,
                      a_arr, p_arr, n_arr)

    total = jnp.sum(parts[:, 0, :])
    cnt = jnp.sum(parts[:, 1, 0])
    return jnp.where(cnt > 0, total / jnp.maximum(cnt, 1.0), 0.0)

# --- scband reference (transcript-rebuilt; emitter-appended) ---
"""Pipeline reference for scband-adaptive-ranking-loss-13305808683589 (READ-ONLY COPY).

The authoritative reference and input builder live on the scoring server;
editing this copy changes nothing except your own understanding.
"""

import jax, jax.numpy as jnp
import numpy as np


def _precompute_valuations():
    vals = np.zeros(19683, dtype=np.int32)
    vals[0] = 9
    for i in range(1, 19683):
        v, m = 0, i
        while m % 3 == 0:
            v += 1
            m //= 3
        vals[i] = v
    return jnp.asarray(vals)


def setup_inputs(seed: int = 0):
    key = jax.random.key(seed)
    k1, k2 = jax.random.split(key, 2)
    z = jax.random.normal(k1, (16384, 16), dtype=jnp.float32)
    indices = jax.random.randint(k2, (16384,), 0, 19683, dtype=jnp.int32)
    valuations = _precompute_valuations()
    return {"z": z, "indices": indices, "valuations": valuations}


def _three_adic_distance(op_i, op_j, valuations):
    diff = jnp.clip(jnp.abs(op_i - op_j), 0, 19682)
    v = valuations[diff]
    return jnp.power(3.0, -v.astype(jnp.float32))


def reference(z, indices, valuations):
    base_margin = 0.1
    n_triplets = 100000
    batch_size = z.shape[0]
    n = min(n_triplets, batch_size * (batch_size - 1) * (batch_size - 2) // 6)
    key = jax.random.key(42)
    ka, kp, kn = jax.random.split(key, 3)
    anchor_idx = jax.random.randint(ka, (n,), 0, batch_size)
    pos_idx = jax.random.randint(kp, (n,), 0, batch_size)
    neg_idx = jax.random.randint(kn, (n,), 0, batch_size)
    op_a = indices[anchor_idx]
    op_p = indices[pos_idx]
    op_n = indices[neg_idx]
    d3_pos = _three_adic_distance(op_a, op_p, valuations)
    d3_neg = _three_adic_distance(op_a, op_n, valuations)
    valid = (d3_pos < d3_neg) & (anchor_idx != pos_idx) & (anchor_idx != neg_idx)
    z_a = z[anchor_idx]
    z_p = z[pos_idx]
    z_n = z[neg_idx]
    sq_pos = jnp.sum((z_a - z_p) ** 2, axis=1)
    sq_neg = jnp.sum((z_a - z_n) ** 2, axis=1)
    # guard sqrt(0) on masked-out (invalid) triplets; valid entries match torch norm
    d_lat_pos = jnp.sqrt(jnp.where(valid, sq_pos, 1.0))
    d_lat_neg = jnp.sqrt(jnp.where(valid, sq_neg, 1.0))
    diff_pos = jnp.clip(jnp.abs(op_a - op_p), 0, 19682)
    diff_neg = jnp.clip(jnp.abs(op_a - op_n), 0, 19682)
    v_pos = valuations[diff_pos]
    v_neg = valuations[diff_neg]
    margins = base_margin * (1.0 + 0.5 * jnp.abs(v_pos - v_neg).astype(jnp.float32))
    per = jax.nn.relu(d_lat_pos - d_lat_neg + margins)
    vf = valid.astype(jnp.float32)
    cnt = jnp.sum(vf)
    loss = jnp.where(cnt > 0, jnp.sum(per * vf) / jnp.maximum(cnt, 1.0), 0.0)
    return loss

if __name__ == "__main__":
    import jax
    _d = setup_inputs()
    print(jax.jit(kernel)(*tuple(_d.values())))

</pallas_src>

<mosaic_0001>
#map = affine_map<(d0, d1) -> (0, 0)>
#map1 = affine_map<(d0, d1) -> (0)>
#map2 = affine_map<(d0, d1) -> (0, 0, 0)>
module attributes {stable_mosaic.version = 14 : i64} {
  func.func @sc_kernel(%arg0: i32, %arg1: i32, %arg2: memref<16384x16xf32, #tpu.memory_space<hbm>>, %arg3: memref<16384xi32, #tpu.memory_space<hbm>>, %arg4: memref<19712xi32, #tpu.memory_space<hbm>>, %arg5: memref<32x3200xi32, #tpu.memory_space<hbm>>, %arg6: memref<32x3200xi32, #tpu.memory_space<hbm>>, %arg7: memref<32x3200xi32, #tpu.memory_space<hbm>>, %arg8: memref<32x2x16xf32, #tpu.memory_space<hbm>>, %arg9: memref<16384xi32, #tpu.memory_space<vmem>>, %arg10: memref<19712xi32, #tpu.memory_space<vmem>>, %arg11: memref<3200xi32, #tpu.memory_space<vmem>>, %arg12: memref<3200xi32, #tpu.memory_space<vmem>>, %arg13: memref<3200xi32, #tpu.memory_space<vmem>>, %arg14: memref<3344xi32, #tpu.memory_space<vmem>>, %arg15: memref<3344xi32, #tpu.memory_space<vmem>>, %arg16: memref<3344xi32, #tpu.memory_space<vmem>>, %arg17: memref<3344xf32, #tpu.memory_space<vmem>>, %arg18: memref<256x16xf32, #tpu.memory_space<vmem>>, %arg19: memref<256x16xf32, #tpu.memory_space<vmem>>, %arg20: memref<256x16xf32, #tpu.memory_space<vmem>>, %arg21: memref<2x16xf32, #tpu.memory_space<vmem>>, %arg22: memref<!tpu.dma_semaphore, #tpu.memory_space<semaphore_mem>>, %arg23: memref<!tpu.dma_semaphore, #tpu.memory_space<semaphore_mem>>) attributes {dimension_semantics = [#tpu.dimension_semantics<core_parallel>, #tpu.dimension_semantics<subcore_parallel>], iteration_bounds = array<i64: 2, 16>, scalar_prefetch = 0 : i64, scratch_operands = 15 : i64, tpu.core_type = #tpu.core_type<sc_vector_subcore>, window_params = [{transform_indices = #map}, {transform_indices = #map1}, {transform_indices = #map1}, {transform_indices = #map}, {transform_indices = #map}, {transform_indices = #map}, {transform_indices = #map2}]} {
    %mul3A = arith.constant 16 : i32
    %mul3A_0 = arith.muli %arg0, %mul3A : i32
    %add3A = arith.addi %mul3A_0, %arg1 : i32
    "tpu.region"() ({
      %run_scoped3A = tpu.sem_alloc : memref<!tpu.dma_semaphore, #tpu.memory_space<semaphore_mem>>
      %dma_start3A = arith.constant 0 : i32
      %dma_start3A_118 = tpu.memref_slice %arg5[%add3A, %dma_start3A] : memref<32x3200xi32, #tpu.memory_space<hbm>> -> memref<1x3200xi32, #tpu.memory_space<hbm>>
      %dma_start3A_119 = tpu.memref_squeeze %dma_start3A_118 : memref<1x3200xi32, #tpu.memory_space<hbm>> -> memref<3200xi32, #tpu.memory_space<hbm>>
      %dma_start3A_120 = arith.constant 0 : i32
      %dma_start3A_121 = tpu.memref_slice %arg5[%add3A, %dma_start3A_120] : memref<32x3200xi32, #tpu.memory_space<hbm>> -> memref<1x3200xi32, #tpu.memory_space<hbm>>
      %dma_start3A_122 = tpu.memref_squeeze %dma_start3A_121 : memref<1x3200xi32, #tpu.memory_space<hbm>> -> memref<3200xi32, #tpu.memory_space<hbm>>
      tpu.enqueue_dma source(%dma_start3A_122 : memref<3200xi32, #tpu.memory_space<hbm>>) target(%arg11 : memref<3200xi32, #tpu.memory_space<vmem>>) target_semaphore(%run_scoped3A : memref<!tpu.dma_semaphore, #tpu.memory_space<semaphore_mem>>)
      %dma_wait3A = arith.constant 0 : i32
      %dma_wait3A_123 = tpu.memref_slice %arg5[%add3A, %dma_wait3A] : memref<32x3200xi32, #tpu.memory_space<hbm>> -> memref<1x3200xi32, #tpu.memory_space<hbm>>
      %dma_wait3A_124 = tpu.memref_squeeze %dma_wait3A_123 : memref<1x3200xi32, #tpu.memory_space<hbm>> -> memref<3200xi32, #tpu.memory_space<hbm>>
      %dma_wait3A_125 = arith.constant 0 : i32
      %dma_wait3A_126 = tpu.memref_slice %arg5[%add3A, %dma_wait3A_125] : memref<32x3200xi32, #tpu.memory_space<hbm>> -> memref<1x3200xi32, #tpu.memory_space<hbm>>
      %dma_wait3A_127 = tpu.memref_squeeze %dma_wait3A_126 : memref<1x3200xi32, #tpu.memory_space<hbm>> -> memref<3200xi32, #tpu.memory_space<hbm>>
      tpu.wait_dma2 semaphore(%run_scoped3A : memref<!tpu.dma_semaphore, #tpu.memory_space<semaphore_mem>>) src(%dma_wait3A_127 : memref<3200xi32, #tpu.memory_space<hbm>>) dst(%arg11 : memref<3200xi32, #tpu.memory_space<vmem>>)
      tpu.yield
    }) : () -> ()
    %iota3A = tpu.iota {dimensions = array<i32: 0>} : vector<16xi32>
    %broadcast_in_dim3A = arith.constant 0.000000e+00 : f32
    %broadcast_in_dim3A_1 = vector.broadcast %broadcast_in_dim3A : f32 to vector<16xf32>
    %broadcast_in_dim3A_2 = arith.constant 0 : i32
    %broadcast_in_dim3A_3 = vector.broadcast %broadcast_in_dim3A_2 : i32 to vector<16xi32>
    %broadcast_in_dim3A_4 = arith.constant 1.000000e+00 : f32
    %broadcast_in_dim3A_5 = vector.broadcast %broadcast_in_dim3A_4 : f32 to vector<16xf32>
    %parallel_loop3A = arith.constant 0 : i32
    %parallel_loop3A_6 = arith.constant 0 : i32
    %parallel_loop3A_7 = arith.constant 1 : i32
    %parallel_loop3A_8 = arith.constant 0 : i32
    %parallel_loop3A_9 = scf.for %parallel_loop3A_118 = %parallel_loop3A to %parallel_loop3A_6 step %parallel_loop3A_7 iter_args(%parallel_loop3A_119 = %parallel_loop3A_8) -> (i32)  : i32 {
      %parallel_loop3A_120 = arith.constant 16 : i32
      %parallel_loop3A_121 = arith.muli %parallel_loop3A_118, %parallel_loop3A_120 : i32
      %parallel_loop3A_122 = arith.index_cast %parallel_loop3A_121 : i32 to index
      %parallel_loop3A_123 = tpu.vector_load %arg11[%parallel_loop3A_122] {strides = array<i32>} : memref<3200xi32, #tpu.memory_space<vmem>>, vector<16xi32>,
      %parallel_loop3A_124 = arith.index_cast %parallel_loop3A_121 : i32 to index
      %parallel_loop3A_125 = tpu.vector_load %arg12[%parallel_loop3A_124] {strides = array<i32>} : memref<3200xi32, #tpu.memory_space<vmem>>, vector<16xi32>,
      %parallel_loop3A_126 = arith.index_cast %parallel_loop3A_121 : i32 to index
      %parallel_loop3A_127 = tpu.vector_load %arg13[%parallel_loop3A_126] {strides = array<i32>} : memref<3200xi32, #tpu.memory_space<vmem>>, vector<16xi32>,
      %parallel_loop3A_128 = tpu.vector_load_idx %arg9[%parallel_loop3A_123] : memref<16384xi32, #tpu.memory_space<vmem>>[vector<16xi32>], vector<16xi32>,
      %parallel_loop3A_129 = tpu.vector_load_idx %arg9[%parallel_loop3A_125] : memref<16384xi32, #tpu.memory_space<vmem>>[vector<16xi32>], vector<16xi32>,
      %parallel_loop3A_130 = tpu.vector_load_idx %arg9[%parallel_loop3A_127] : memref<16384xi32, #tpu.memory_space<vmem>>[vector<16xi32>], vector<16xi32>,
      %parallel_loop3A_131 = arith.subi %parallel_loop3A_128, %parallel_loop3A_129 : vector<16xi32>
      %parallel_loop3A_132 = math.absi %parallel_loop3A_131 : vector<16xi32>
      %parallel_loop3A_133 = tpu.vector_load_idx %arg10[%parallel_loop3A_132] : memref<19712xi32, #tpu.memory_space<vmem>>[vector<16xi32>], vector<16xi32>,
      %parallel_loop3A_134 = arith.subi %parallel_loop3A_128, %parallel_loop3A_130 : vector<16xi32>
      %parallel_loop3A_135 = math.absi %parallel_loop3A_134 : vector<16xi32>
      %parallel_loop3A_136 = tpu.vector_load_idx %arg10[%parallel_loop3A_135] : memref<19712xi32, #tpu.memory_space<vmem>>[vector<16xi32>], vector<16xi32>,
      %parallel_loop3A_137 = arith.cmpi sgt, %parallel_loop3A_133, %parallel_loop3A_136 : vector<16xi32>
      %parallel_loop3A_138 = arith.cmpi ne, %parallel_loop3A_123, %parallel_loop3A_125 : vector<16xi32>
      %parallel_loop3A_139 = arith.cmpi ne, %parallel_loop3A_123, %parallel_loop3A_127 : vector<16xi32>
      %parallel_loop3A_140 = arith.andi %parallel_loop3A_138, %parallel_loop3A_139 : vector<16xi1>
      %parallel_loop3A_141 = arith.andi %parallel_loop3A_137, %parallel_loop3A_140 : vector<16xi1>
      %parallel_loop3A_142 = arith.subi %parallel_loop3A_133, %parallel_loop3A_136 : vector<16xi32>
      %parallel_loop3A_143 = math.absi %parallel_loop3A_142 : vector<16xi32>
      %parallel_loop3A_144 = arith.sitofp %parallel_loop3A_143 : vector<16xi32> to vector<16xf32>
      %parallel_loop3A_145 = arith.constant 5.000000e-02 : f32
      %parallel_loop3A_146 = vector.broadcast %parallel_loop3A_145 : f32 to vector<16xf32>
      %parallel_loop3A_147 = arith.mulf %parallel_loop3A_146, %parallel_loop3A_144 : vector<16xf32>
      %parallel_loop3A_148 = arith.constant 1.000000e-01 : f32
      %parallel_loop3A_149 = vector.broadcast %parallel_loop3A_148 : f32 to vector<16xf32>
      %parallel_loop3A_150 = arith.addf %parallel_loop3A_149, %parallel_loop3A_147 : vector<16xf32>
      %parallel_loop3A_151 = arith.index_cast %parallel_loop3A_119 : i32 to index
      %parallel_loop3A_152 = tpu.vector_load %arg14[%parallel_loop3A_151] masked %parallel_loop3A_141 {strides = array<i32>} : memref<3344xi32, #tpu.memory_space<vmem>>, vector<16xi32>, vector<16xi1>
      tpu.vector_store %arg14[%parallel_loop3A_151], %parallel_loop3A_123 masked %parallel_loop3A_141 {strides = array<i32>} : memref<3344xi32, #tpu.memory_space<vmem>>, vector<16xi32>, vector<16xi1>
      %parallel_loop3A_153 = arith.index_cast %parallel_loop3A_119 : i32 to index
      %parallel_loop3A_154 = tpu.vector_load %arg15[%parallel_loop3A_153] masked %parallel_loop3A_141 {strides = array<i32>} : memref<3344xi32, #tpu.memory_space<vmem>>, vector<16xi32>, vector<16xi1>
      tpu.vector_store %arg15[%parallel_loop3A_153], %parallel_loop3A_125 masked %parallel_loop3A_141 {strides = array<i32>} : memref<3344xi32, #tpu.memory_space<vmem>>, vector<16xi32>, vector<16xi1>
      %parallel_loop3A_155 = arith.index_cast %parallel_loop3A_119 : i32 to index
      %parallel_loop3A_156 = tpu.vector_load %arg16[%parallel_loop3A_155] masked %parallel_loop3A_141 {strides = array<i32>} : memref<3344xi32, #tpu.memory_space<vmem>>, vector<16xi32>, vector<16xi1>
      tpu.vector_store %arg16[%parallel_loop3A_155], %parallel_loop3A_127 masked %parallel_loop3A_141 {strides = array<i32>} : memref<3344xi32, #tpu.memory_space<vmem>>, vector<16xi32>, vector<16xi1>
      %parallel_loop3A_157 = arith.index_cast %parallel_loop3A_119 : i32 to index
      %parallel_loop3A_158 = tpu.vector_load %arg17[%parallel_loop3A_157] masked %parallel_loop3A_141 {strides = array<i32>} : memref<3344xf32, #tpu.memory_space<vmem>>, vector<16xf32>, vector<16xi1>
      tpu.vector_store %arg17[%parallel_loop3A_157], %parallel_loop3A_150 masked %parallel_loop3A_141 {strides = array<i32>} : memref<3344xf32, #tpu.memory_space<vmem>>, vector<16xf32>, vector<16xi1>
      %parallel_loop3A_159 = arith.extui %parallel_loop3A_141 : vector<16xi1> to vector<16xi32>
      %parallel_loop3A_160 = arith.constant true
      %parallel_loop3A_161 = vector.broadcast %parallel_loop3A_160 : i1 to vector<16xi1>
      %parallel_loop3A_162 = tpu.scan <sum>, %parallel_loop3A_159 masked %parallel_loop3A_161 : vector<16xi32>, vector<16xi1> -> vector<16xi32>
      %parallel_loop3A_163 = vector.extract %parallel_loop3A_162[15] : i32 from vector<16xi32>
      %parallel_loop3A_164 = arith.addi %parallel_loop3A_119, %parallel_loop3A_163 : i32
      scf.yield %parallel_loop3A_164 : i32
    } {sc.loop_unroll_factor = 4 : i64, sc.parallel_access}
    %add3A_10 = arith.constant 0 : i32
    %add3A_11 = arith.addi %parallel_loop3A_9, %add3A_10 : i32
    %swap3A = arith.index_cast %add3A_11 : i32 to index
    %swap3A_12 = tpu.vector_load %arg14[%swap3A] {strides = array<i32>} : memref<3344xi32, #tpu.memory_space<vmem>>, vector<16xi32>,
    tpu.vector_store %arg14[%swap3A], %broadcast_in_dim3A_3 {strides = array<i32>} : memref<3344xi32, #tpu.memory_space<vmem>>, vector<16xi32>,
    %swap3A_13 = arith.index_cast %add3A_11 : i32 to index
    %swap3A_14 = tpu.vector_load %arg15[%swap3A_13] {strides = array<i32>} : memref<3344xi32, #tpu.memory_space<vmem>>, vector<16xi32>,
    tpu.vector_store %arg15[%swap3A_13], %broadcast_in_dim3A_3 {strides = array<i32>} : memref<3344xi32, #tpu.memory_space<vmem>>, vector<16xi32>,
    %swap3A_15 = arith.index_cast %add3A_11 : i32 to index
    %swap3A_16 = tpu.vector_load %arg16[%swap3A_15] {strides = array<i32>} : memref<3344xi32, #tpu.memory_space<vmem>>, vector<16xi32>,
    tpu.vector_store %arg16[%swap3A_15], %broadcast_in_dim3A_3 {strides = array<i32>} : memref<3344xi32, #tpu.memory_space<vmem>>, vector<16xi32>,
    %swap3A_17 = arith.index_cast %add3A_11 : i32 to index
    %swap3A_18 = tpu.vector_load %arg17[%swap3A_17] {strides = array<i32>} : memref<3344xf32, #tpu.memory_space<vmem>>, vector<16xf32>,
    tpu.vector_store %arg17[%swap3A_17], %broadcast_in_dim3A_1 {strides = array<i32>} : memref<3344xf32, #tpu.memory_space<vmem>>, vector<16xf32>,
    %add3A_19 = arith.constant 16 : i32
    %add3A_20 = arith.addi %parallel_loop3A_9, %add3A_19 : i32
    %swap3A_21 = arith.index_cast %add3A_20 : i32 to index
    %swap3A_22 = tpu.vector_load %arg14[%swap3A_21] {strides = array<i32>} : memref<3344xi32, #tpu.memory_space<vmem>>, vector<16xi32>,
    tpu.vector_store %arg14[%swap3A_21], %broadcast_in_dim3A_3 {strides = array<i32>} : memref<3344xi32, #tpu.memory_space<vmem>>, vector<16xi32>,
    %swap3A_23 = arith.index_cast %add3A_20 : i32 to index
    %swap3A_24 = tpu.vector_load %arg15[%swap3A_23] {strides = array<i32>} : memref<3344xi32, #tpu.memory_space<vmem>>, vector<16xi32>,
    tpu.vector_store %arg15[%swap3A_23], %broadcast_in_dim3A_3 {strides = array<i32>} : memref<3344xi32, #tpu.memory_space<vmem>>, vector<16xi32>,
    %swap3A_25 = arith.index_cast %add3A_20 : i32 to index
    %swap3A_26 = tpu.vector_load %arg16[%swap3A_25] {strides = array<i32>} : memref<3344xi32, #tpu.memory_space<vmem>>, vector<16xi32>,
    tpu.vector_store %arg16[%swap3A_25], %broadcast_in_dim3A_3 {strides = array<i32>} : memref<3344xi32, #tpu.memory_space<vmem>>, vector<16xi32>,
    %swap3A_27 = arith.index_cast %add3A_20 : i32 to index
    %swap3A_28 = tpu.vector_load %arg17[%swap3A_27] {strides = array<i32>} : memref<3344xf32, #tpu.memory_space<vmem>>, vector<16xf32>,
    tpu.vector_store %arg17[%swap3A_27], %broadcast_in_dim3A_1 {strides = array<i32>} : memref<3344xf32, #tpu.memory_space<vmem>>, vector<16xf32>,
    %add3A_29 = arith.constant 32 : i32
    %add3A_30 = arith.addi %parallel_loop3A_9, %add3A_29 : i32
    %swap3A_31 = arith.index_cast %add3A_30 : i32 to index
    %swap3A_32 = tpu.vector_load %arg14[%swap3A_31] {strides = array<i32>} : memref<3344xi32, #tpu.memory_space<vmem>>, vector<16xi32>,
    tpu.vector_store %arg14[%swap3A_31], %broadcast_in_dim3A_3 {strides = array<i32>} : memref<3344xi32, #tpu.memory_space<vmem>>, vector<16xi32>,
    %swap3A_33 = arith.index_cast %add3A_30 : i32 to index
    %swap3A_34 = tpu.vector_load %arg15[%swap3A_33] {strides = array<i32>} : memref<3344xi32, #tpu.memory_space<vmem>>, vector<16xi32>,
    tpu.vector_store %arg15[%swap3A_33], %broadcast_in_dim3A_3 {strides = array<i32>} : memref<3344xi32, #tpu.memory_space<vmem>>, vector<16xi32>,
    %swap3A_35 = arith.index_cast %add3A_30 : i32 to index
    %swap3A_36 = tpu.vector_load %arg16[%swap3A_35] {strides = array<i32>} : memref<3344xi32, #tpu.memory_space<vmem>>, vector<16xi32>,
    tpu.vector_store %arg16[%swap3A_35], %broadcast_in_dim3A_3 {strides = array<i32>} : memref<3344xi32, #tpu.memory_space<vmem>>, vector<16xi32>,
    %swap3A_37 = arith.index_cast %add3A_30 : i32 to index
    %swap3A_38 = tpu.vector_load %arg17[%swap3A_37] {strides = array<i32>} : memref<3344xf32, #tpu.memory_space<vmem>>, vector<16xf32>,
    tpu.vector_store %arg17[%swap3A_37], %broadcast_in_dim3A_1 {strides = array<i32>} : memref<3344xf32, #tpu.memory_space<vmem>>, vector<16xf32>,
    %add3A_39 = arith.constant 48 : i32
    %add3A_40 = arith.addi %parallel_loop3A_9, %add3A_39 : i32
    %swap3A_41 = arith.index_cast %add3A_40 : i32 to index
    %swap3A_42 = tpu.vector_load %arg14[%swap3A_41] {strides = array<i32>} : memref<3344xi32, #tpu.memory_space<vmem>>, vector<16xi32>,
    tpu.vector_store %arg14[%swap3A_41], %broadcast_in_dim3A_3 {strides = array<i32>} : memref<3344xi32, #tpu.memory_space<vmem>>, vector<16xi32>,
    %swap3A_43 = arith.index_cast %add3A_40 : i32 to index
    %swap3A_44 = tpu.vector_load %arg15[%swap3A_43] {strides = array<i32>} : memref<3344xi32, #tpu.memory_space<vmem>>, vector<16xi32>,
    tpu.vector_store %arg15[%swap3A_43], %broadcast_in_dim3A_3 {strides = array<i32>} : memref<3344xi32, #tpu.memory_space<vmem>>, vector<16xi32>,
    %swap3A_45 = arith.index_cast %add3A_40 : i32 to index
    %swap3A_46 = tpu.vector_load %arg16[%swap3A_45] {strides = array<i32>} : memref<3344xi32, #tpu.memory_space<vmem>>, vector<16xi32>,
    tpu.vector_store %arg16[%swap3A_45], %broadcast_in_dim3A_3 {strides = array<i32>} : memref<3344xi32, #tpu.memory_space<vmem>>, vector<16xi32>,
    %swap3A_47 = arith.index_cast %add3A_40 : i32 to index
    %swap3A_48 = tpu.vector_load %arg17[%swap3A_47] {strides = array<i32>} : memref<3344xf32, #tpu.memory_space<vmem>>, vector<16xf32>,
    tpu.vector_store %arg17[%swap3A_47], %broadcast_in_dim3A_1 {strides = array<i32>} : memref<3344xf32, #tpu.memory_space<vmem>>, vector<16xf32>,
    %add3A_49 = arith.constant 64 : i32
    %add3A_50 = arith.addi %parallel_loop3A_9, %add3A_49 : i32
    %swap3A_51 = arith.index_cast %add3A_50 : i32 to index
    %swap3A_52 = tpu.vector_load %arg14[%swap3A_51] {strides = array<i32>} : memref<3344xi32, #tpu.memory_space<vmem>>, vector<16xi32>,
    tpu.vector_store %arg14[%swap3A_51], %broadcast_in_dim3A_3 {strides = array<i32>} : memref<3344xi32, #tpu.memory_space<vmem>>, vector<16xi32>,
    %swap3A_53 = arith.index_cast %add3A_50 : i32 to index
    %swap3A_54 = tpu.vector_load %arg15[%swap3A_53] {strides = array<i32>} : memref<3344xi32, #tpu.memory_space<vmem>>, vector<16xi32>,
    tpu.vector_store %arg15[%swap3A_53], %broadcast_in_dim3A_3 {strides = array<i32>} : memref<3344xi32, #tpu.memory_space<vmem>>, vector<16xi32>,
    %swap3A_55 = arith.index_cast %add3A_50 : i32 to index
    %swap3A_56 = tpu.vector_load %arg16[%swap3A_55] {strides = array<i32>} : memref<3344xi32, #tpu.memory_space<vmem>>, vector<16xi32>,
    tpu.vector_store %arg16[%swap3A_55], %broadcast_in_dim3A_3 {strides = array<i32>} : memref<3344xi32, #tpu.memory_space<vmem>>, vector<16xi32>,
    %swap3A_57 = arith.index_cast %add3A_50 : i32 to index
    %swap3A_58 = tpu.vector_load %arg17[%swap3A_57] {strides = array<i32>} : memref<3344xf32, #tpu.memory_space<vmem>>, vector<16xf32>,
    tpu.vector_store %arg17[%swap3A_57], %broadcast_in_dim3A_1 {strides = array<i32>} : memref<3344xf32, #tpu.memory_space<vmem>>, vector<16xf32>,
    %add3A_59 = arith.constant 80 : i32
    %add3A_60 = arith.addi %parallel_loop3A_9, %add3A_59 : i32
    %swap3A_61 = arith.index_cast %add3A_60 : i32 to index
    %swap3A_62 = tpu.vector_load %arg14[%swap3A_61] {strides = array<i32>} : memref<3344xi32, #tpu.memory_space<vmem>>, vector<16xi32>,
    tpu.vector_store %arg14[%swap3A_61], %broadcast_in_dim3A_3 {strides = array<i32>} : memref<3344xi32, #tpu.memory_space<vmem>>, vector<16xi32>,
    %swap3A_63 = arith.index_cast %add3A_60 : i32 to index
    %swap3A_64 = tpu.vector_load %arg15[%swap3A_63] {strides = array<i32>} : memref<3344xi32, #tpu.memory_space<vmem>>, vector<16xi32>,
    tpu.vector_store %arg15[%swap3A_63], %broadcast_in_dim3A_3 {strides = array<i32>} : memref<3344xi32, #tpu.memory_space<vmem>>, vector<16xi32>,
    %swap3A_65 = arith.index_cast %add3A_60 : i32 to index
    %swap3A_66 = tpu.vector_load %arg16[%swap3A_65] {strides = array<i32>} : memref<3344xi32, #tpu.memory_space<vmem>>, vector<16xi32>,
    tpu.vector_store %arg16[%swap3A_65], %broadcast_in_dim3A_3 {strides = array<i32>} : memref<3344xi32, #tpu.memory_space<vmem>>, vector<16xi32>,
    %swap3A_67 = arith.index_cast %add3A_60 : i32 to index
    %swap3A_68 = tpu.vector_load %arg17[%swap3A_67] {strides = array<i32>} : memref<3344xf32, #tpu.memory_space<vmem>>, vector<16xf32>,
    tpu.vector_store %arg17[%swap3A_67], %broadcast_in_dim3A_1 {strides = array<i32>} : memref<3344xf32, #tpu.memory_space<vmem>>, vector<16xf32>,
    %add3A_69 = arith.constant 96 : i32
    %add3A_70 = arith.addi %parallel_loop3A_9, %add3A_69 : i32
    %swap3A_71 = arith.index_cast %add3A_70 : i32 to index
    %swap3A_72 = tpu.vector_load %arg14[%swap3A_71] {strides = array<i32>} : memref<3344xi32, #tpu.memory_space<vmem>>, vector<16xi32>,
    tpu.vector_store %arg14[%swap3A_71], %broadcast_in_dim3A_3 {strides = array<i32>} : memref<3344xi32, #tpu.memory_space<vmem>>, vector<16xi32>,
    %swap3A_73 = arith.index_cast %add3A_70 : i32 to index
    %swap3A_74 = tpu.vector_load %arg15[%swap3A_73] {strides = array<i32>} : memref<3344xi32, #tpu.memory_space<vmem>>, vector<16xi32>,
    tpu.vector_store %arg15[%swap3A_73], %broadcast_in_dim3A_3 {strides = array<i32>} : memref<3344xi32, #tpu.memory_space<vmem>>, vector<16xi32>,
    %swap3A_75 = arith.index_cast %add3A_70 : i32 to index
    %swap3A_76 = tpu.vector_load %arg16[%swap3A_75] {strides = array<i32>} : memref<3344xi32, #tpu.memory_space<vmem>>, vector<16xi32>,
    tpu.vector_store %arg16[%swap3A_75], %broadcast_in_dim3A_3 {strides = array<i32>} : memref<3344xi32, #tpu.memory_space<vmem>>, vector<16xi32>,
    %swap3A_77 = arith.index_cast %add3A_70 : i32 to index
    %swap3A_78 = tpu.vector_load %arg17[%swap3A_77] {strides = array<i32>} : memref<3344xf32, #tpu.memory_space<vmem>>, vector<16xf32>,
    tpu.vector_store %arg17[%swap3A_77], %broadcast_in_dim3A_1 {strides = array<i32>} : memref<3344xf32, #tpu.memory_space<vmem>>, vector<16xf32>,
    %add3A_79 = arith.constant 112 : i32
    %add3A_80 = arith.addi %parallel_loop3A_9, %add3A_79 : i32
    %swap3A_81 = arith.index_cast %add3A_80 : i32 to index
    %swap3A_82 = tpu.vector_load %arg14[%swap3A_81] {strides = array<i32>} : memref<3344xi32, #tpu.memory_space<vmem>>, vector<16xi32>,
    tpu.vector_store %arg14[%swap3A_81], %broadcast_in_dim3A_3 {strides = array<i32>} : memref<3344xi32, #tpu.memory_space<vmem>>, vector<16xi32>,
    %swap3A_83 = arith.index_cast %add3A_80 : i32 to index
    %swap3A_84 = tpu.vector_load %arg15[%swap3A_83] {strides = array<i32>} : memref<3344xi32, #tpu.memory_space<vmem>>, vector<16xi32>,
    tpu.vector_store %arg15[%swap3A_83], %broadcast_in_dim3A_3 {strides = array<i32>} : memref<3344xi32, #tpu.memory_space<vmem>>, vector<16xi32>,
    %swap3A_85 = arith.index_cast %add3A_80 : i32 to index
    %swap3A_86 = tpu.vector_load %arg16[%swap3A_85] {strides = array<i32>} : memref<3344xi32, #tpu.memory_space<vmem>>, vector<16xi32>,
    tpu.vector_store %arg16[%swap3A_85], %broadcast_in_dim3A_3 {strides = array<i32>} : memref<3344xi32, #tpu.memory_space<vmem>>, vector<16xi32>,
    %swap3A_87 = arith.index_cast %add3A_80 : i32 to index
    %swap3A_88 = tpu.vector_load %arg17[%swap3A_87] {strides = array<i32>} : memref<3344xf32, #tpu.memory_space<vmem>>, vector<16xf32>,
    tpu.vector_store %arg17[%swap3A_87], %broadcast_in_dim3A_1 {strides = array<i32>} : memref<3344xf32, #tpu.memory_space<vmem>>, vector<16xf32>,
    %add3A_89 = arith.constant 128 : i32
    %add3A_90 = arith.addi %parallel_loop3A_9, %add3A_89 : i32
    %sub3A = arith.constant 1 : i32
    %sub3A_91 = arith.subi %add3A_90, %sub3A : i32
    %div3A = arith.constant 128 : i32
    %div3A_92 = arith.divsi %sub3A_91, %div3A : i32
    %gt3A = arith.constant 0 : i32
    %gt3A_93 = arith.cmpi sgt, %div3A_92, %gt3A : i32
    %convert_element_type3A = arith.extui %gt3A_93 : i1 to i32
    %cond3A = arith.constant 0 : i32
    %cond3A_94 = arith.cmpi ne, %convert_element_type3A, %cond3A : i32
    scf.if %cond3A_94 {
      %dma_start3A = arith.constant 0 : i32
      %dma_start3A_118 = arith.constant 0 : i32
      %dma_start3A_119 = tpu.memref_slice %arg18[%dma_start3A, %dma_start3A_118] : memref<256x16xf32, #tpu.memory_space<vmem>> -> memref<128x16xf32, #tpu.memory_space<vmem>>
      %dma_start3A_120 = arith.constant 0 : i32
      %dma_start3A_121 = tpu.memref_slice %arg14[%dma_start3A_120] : memref<3344xi32, #tpu.memory_space<vmem>> -> memref<128xi32, #tpu.memory_space<vmem>>
      %dma_start3A_122 = arith.constant 0 : i32
      %dma_start3A_123 = arith.constant 0 : i32
      %dma_start3A_124 = tpu.memref_slice %arg2[%dma_start3A_122, %dma_start3A_123] : memref<16384x16xf32, #tpu.memory_space<hbm>> -> memref<16384x16xf32, #tpu.memory_space<hbm>>
      tpu.enqueue_indirect_dma source(%dma_start3A_124 : memref<16384x16xf32, #tpu.memory_space<hbm>>) target(%dma_start3A_119 : memref<128x16xf32, #tpu.memory_space<vmem>>) offsets(%dma_start3A_121 : memref<128xi32, #tpu.memory_space<vmem>>) semaphore(%arg22 : memref<!tpu.dma_semaphore, #tpu.memory_space<semaphore_mem>>)
      %dma_start3A_125 = arith.constant 0 : i32
      %dma_start3A_126 = arith.constant 0 : i32
      %dma_start3A_127 = tpu.memref_slice %arg19[%dma_start3A_125, %dma_start3A_126] : memref<256x16xf32, #tpu.memory_space<vmem>> -> memref<128x16xf32, #tpu.memory_space<vmem>>
      %dma_start3A_128 = arith.constant 0 : i32
      %dma_start3A_129 = tpu.memref_slice %arg15[%dma_start3A_128] : memref<3344xi32, #tpu.memory_space<vmem>> -> memref<128xi32, #tpu.memory_space<vmem>>
      %dma_start3A_130 = arith.constant 0 : i32
      %dma_start3A_131 = arith.constant 0 : i32
      %dma_start3A_132 = tpu.memref_slice %arg2[%dma_start3A_130, %dma_start3A_131] : memref<16384x16xf32, #tpu.memory_space<hbm>> -> memref<16384x16xf32, #tpu.memory_space<hbm>>
      tpu.enqueue_indirect_dma source(%dma_start3A_132 : memref<16384x16xf32, #tpu.memory_space<hbm>>) target(%dma_start3A_127 : memref<128x16xf32, #tpu.memory_space<vmem>>) offsets(%dma_start3A_129 : memref<128xi32, #tpu.memory_space<vmem>>) semaphore(%arg22 : memref<!tpu.dma_semaphore, #tpu.memory_space<semaphore_mem>>)
      %dma_start3A_133 = arith.constant 0 : i32
      %dma_start3A_134 = arith.constant 0 : i32
      %dma_start3A_135 = tpu.memref_slice %arg20[%dma_start3A_133, %dma_start3A_134] : memref<256x16xf32, #tpu.memory_space<vmem>> -> memref<128x16xf32, #tpu.memory_space<vmem>>
      %dma_start3A_136 = arith.constant 0 : i32
      %dma_start3A_137 = tpu.memref_slice %arg16[%dma_start3A_136] : memref<3344xi32, #tpu.memory_space<vmem>> -> memref<128xi32, #tpu.memory_space<vmem>>
      %dma_start3A_138 = arith.constant 0 : i32
      %dma_start3A_139 = arith.constant 0 : i32
      %dma_start3A_140 = tpu.memref_slice %arg2[%dma_start3A_138, %dma_start3A_139] : memref<16384x16xf32, #tpu.memory_space<hbm>> -> memref<16384x16xf32, #tpu.memory_space<hbm>>
      tpu.enqueue_indirect_dma source(%dma_start3A_140 : memref<16384x16xf32, #tpu.memory_space<hbm>>) target(%dma_start3A_135 : memref<128x16xf32, #tpu.memory_space<vmem>>) offsets(%dma_start3A_137 : memref<128xi32, #tpu.memory_space<vmem>>) semaphore(%arg22 : memref<!tpu.dma_semaphore, #tpu.memory_space<semaphore_mem>>)
    } else {
    }
    %while3A = arith.constant 0 : i32
    %while3A_95 = arith.subi %div3A_92, %while3A : i32
    %while3A_96 = arith.addi %while3A, %while3A_95 : i32
    %while3A_97 = arith.constant 1 : i32
    %while3A_98 = arith.divsi %while3A_95, %while3A_97 : i32
    %while3A_99 = arith.muli %while3A_98, %while3A_97 : i32
    %while3A_100 = arith.addi %while3A, %while3A_99 : i32
    %while3A_101 = arith.constant 1 : i32
    %while3A_102 = scf.for %while3A_118 = %while3A to %while3A_100 step %while3A_101 iter_args(%while3A_119 = %broadcast_in_dim3A_1) -> (vector<16xf32>)  : i32 {
      %rem3A = arith.constant 2 : i32
      %rem3A_120 = arith.remsi %while3A_118, %rem3A : i32
      %eq3A = arith.constant 0 : i32
      %eq3A_121 = arith.cmpi eq, %rem3A_120, %eq3A : i32
      %add3A_122 = arith.constant 1 : i32
      %add3A_123 = arith.addi %while3A_118, %add3A_122 : i32
      %lt3A = arith.cmpi slt, %add3A_123, %div3A_92 : i32
      %and3A = arith.andi %eq3A_121, %lt3A : i1
      %convert_element_type3A_124 = arith.extui %and3A : i1 to i32
      %cond3A_125 = arith.constant 0 : i32
      %cond3A_126 = arith.cmpi ne, %convert_element_type3A_124, %cond3A_125 : i32
      scf.if %cond3A_126 {
        %add3A_152 = arith.constant 1 : i32
        %add3A_153 = arith.addi %while3A_118, %add3A_152 : i32
        %mul3A_154 = arith.constant 128 : i32
        %mul3A_155 = arith.muli %add3A_153, %mul3A_154 : i32
        %dma_start3A = arith.constant 128 : i32
        %dma_start3A_156 = arith.constant 0 : i32
        %dma_start3A_157 = tpu.memref_slice %arg18[%dma_start3A, %dma_start3A_156] : memref<256x16xf32, #tpu.memory_space<vmem>> -> memref<128x16xf32, #tpu.memory_space<vmem>>
        %dma_start3A_158 = tpu.memref_slice %arg14[%mul3A_155] : memref<3344xi32, #tpu.memory_space<vmem>> -> memref<128xi32, #tpu.memory_space<vmem>>
        %dma_start3A_159 = arith.constant 0 : i32
        %dma_start3A_160 = arith.constant 0 : i32
        %dma_start3A_161 = tpu.memref_slice %arg2[%dma_start3A_159, %dma_start3A_160] : memref<16384x16xf32, #tpu.memory_space<hbm>> -> memref<16384x16xf32, #tpu.memory_space<hbm>>
        tpu.enqueue_indirect_dma source(%dma_start3A_161 : memref<16384x16xf32, #tpu.memory_space<hbm>>) target(%dma_start3A_157 : memref<128x16xf32, #tpu.memory_space<vmem>>) offsets(%dma_start3A_158 : memref<128xi32, #tpu.memory_space<vmem>>) semaphore(%arg23 : memref<!tpu.dma_semaphore, #tpu.memory_space<semaphore_mem>>)
        %dma_start3A_162 = arith.constant 128 : i32
        %dma_start3A_163 = arith.constant 0 : i32
        %dma_start3A_164 = tpu.memref_slice %arg19[%dma_start3A_162, %dma_start3A_163] : memref<256x16xf32, #tpu.memory_space<vmem>> -> memref<128x16xf32, #tpu.memory_space<vmem>>
        %dma_start3A_165 = tpu.memref_slice %arg15[%mul3A_155] : memref<3344xi32, #tpu.memory_space<vmem>> -> memref<128xi32, #tpu.memory_space<vmem>>
        %dma_start3A_166 = arith.constant 0 : i32
        %dma_start3A_167 = arith.constant 0 : i32
        %dma_start3A_168 = tpu.memref_slice %arg2[%dma_start3A_166, %dma_start3A_167] : memref<16384x16xf32, #tpu.memory_space<hbm>> -> memref<16384x16xf32, #tpu.memory_space<hbm>>
        tpu.enqueue_indirect_dma source(%dma_start3A_168 : memref<16384x16xf32, #tpu.memory_space<hbm>>) target(%dma_start3A_164 : memref<128x16xf32, #tpu.memory_space<vmem>>) offsets(%dma_start3A_165 : memref<128xi32, #tpu.memory_space<vmem>>) semaphore(%arg23 : memref<!tpu.dma_semaphore, #tpu.memory_space<semaphore_mem>>)
        %dma_start3A_169 = arith.constant 128 : i32
        %dma_start3A_170 = arith.constant 0 : i32
        %dma_start3A_171 = tpu.memref_slice %arg20[%dma_start3A_169, %dma_start3A_170] : memref<256x16xf32, #tpu.memory_space<vmem>> -> memref<128x16xf32, #tpu.memory_space<vmem>>
        %dma_start3A_172 = tpu.memref_slice %arg16[%mul3A_155] : memref<3344xi32, #tpu.memory_space<vmem>> -> memref<128xi32, #tpu.memory_space<vmem>>
        %dma_start3A_173 = arith.constant 0 : i32
        %dma_start3A_174 = arith.constant 0 : i32
        %dma_start3A_175 = tpu.memref_slice %arg2[%dma_start3A_173, %dma_start3A_174] : memref<16384x16xf32, #tpu.memory_space<hbm>> -> memref<16384x16xf32, #tpu.memory_space<hbm>>
        tpu.enqueue_indirect_dma source(%dma_start3A_175 : memref<16384x16xf32, #tpu.memory_space<hbm>>) target(%dma_start3A_171 : memref<128x16xf32, #tpu.memory_space<vmem>>) offsets(%dma_start3A_172 : memref<128xi32, #tpu.memory_space<vmem>>) semaphore(%arg23 : memref<!tpu.dma_semaphore, #tpu.memory_space<semaphore_mem>>)
      } else {
      }
      %eq3A_127 = arith.constant 1 : i32
      %eq3A_128 = arith.cmpi eq, %rem3A_120, %eq3A_127 : i32
      %add3A_129 = arith.constant 1 : i32
      %add3A_130 = arith.addi %while3A_118, %add3A_129 : i32
      %lt3A_131 = arith.cmpi slt, %add3A_130, %div3A_92 : i32
      %and3A_132 = arith.andi %eq3A_128, %lt3A_131 : i1
      %convert_element_type3A_133 = arith.extui %and3A_132 : i1 to i32
      %cond3A_134 = arith.constant 0 : i32
      %cond3A_135 = arith.cmpi ne, %convert_element_type3A_133, %cond3A_134 : i32
      scf.if %cond3A_135 {
        %add3A_152 = arith.constant 1 : i32
        %add3A_153 = arith.addi %while3A_118, %add3A_152 : i32
        %mul3A_154 = arith.constant 128 : i32
        %mul3A_155 = arith.muli %add3A_153, %mul3A_154 : i32
        %dma_start3A = arith.constant 0 : i32
        %dma_start3A_156 = arith.constant 0 : i32
        %dma_start3A_157 = tpu.memref_slice %arg18[%dma_start3A, %dma_start3A_156] : memref<256x16xf32, #tpu.memory_space<vmem>> -> memref<128x16xf32, #tpu.memory_space<vmem>>
        %dma_start3A_158 = tpu.memref_slice %arg14[%mul3A_155] : memref<3344xi32, #tpu.memory_space<vmem>> -> memref<128xi32, #tpu.memory_space<vmem>>
        %dma_start3A_159 = arith.constant 0 : i32
        %dma_start3A_160 = arith.constant 0 : i32
        %dma_start3A_161 = tpu.memref_slice %arg2[%dma_start3A_159, %dma_start3A_160] : memref<16384x16xf32, #tpu.memory_space<hbm>> -> memref<16384x16xf32, #tpu.memory_space<hbm>>
        tpu.enqueue_indirect_dma source(%dma_start3A_161 : memref<16384x16xf32, #tpu.memory_space<hbm>>) target(%dma_start3A_157 : memref<128x16xf32, #tpu.memory_space<vmem>>) offsets(%dma_start3A_158 : memref<128xi32, #tpu.memory_space<vmem>>) semaphore(%arg22 : memref<!tpu.dma_semaphore, #tpu.memory_space<semaphore_mem>>)
        %dma_start3A_162 = arith.constant 0 : i32
        %dma_start3A_163 = arith.constant 0 : i32
        %dma_start3A_164 = tpu.memref_slice %arg19[%dma_start3A_162, %dma_start3A_163] : memref<256x16xf32, #tpu.memory_space<vmem>> -> memref<128x16xf32, #tpu.memory_space<vmem>>
        %dma_start3A_165 = tpu.memref_slice %arg15[%mul3A_155] : memref<3344xi32, #tpu.memory_space<vmem>> -> memref<128xi32, #tpu.memory_space<vmem>>
        %dma_start3A_166 = arith.constant 0 : i32
        %dma_start3A_167 = arith.constant 0 : i32
        %dma_start3A_168 = tpu.memref_slice %arg2[%dma_start3A_166, %dma_start3A_167] : memref<16384x16xf32, #tpu.memory_space<hbm>> -> memref<16384x16xf32, #tpu.memory_space<hbm>>
        tpu.enqueue_indirect_dma source(%dma_start3A_168 : memref<16384x16xf32, #tpu.memory_space<hbm>>) target(%dma_start3A_164 : memref<128x16xf32, #tpu.memory_space<vmem>>) offsets(%dma_start3A_165 : memref<128xi32, #tpu.memory_space<vmem>>) semaphore(%arg22 : memref<!tpu.dma_semaphore, #tpu.memory_space<semaphore_mem>>)
        %dma_start3A_169 = arith.constant 0 : i32
        %dma_start3A_170 = arith.constant 0 : i32
        %dma_start3A_171 = tpu.memref_slice %arg20[%dma_start3A_169, %dma_start3A_170] : memref<256x16xf32, #tpu.memory_space<vmem>> -> memref<128x16xf32, #tpu.memory_space<vmem>>
        %dma_start3A_172 = tpu.memref_slice %arg16[%mul3A_155] : memref<3344xi32, #tpu.memory_space<vmem>> -> memref<128xi32, #tpu.memory_space<vmem>>
        %dma_start3A_173 = arith.constant 0 : i32
        %dma_start3A_174 = arith.constant 0 : i32
        %dma_start3A_175 = tpu.memref_slice %arg2[%dma_start3A_173, %dma_start3A_174] : memref<16384x16xf32, #tpu.memory_space<hbm>> -> memref<16384x16xf32, #tpu.memory_space<hbm>>
        tpu.enqueue_indirect_dma source(%dma_start3A_175 : memref<16384x16xf32, #tpu.memory_space<hbm>>) target(%dma_start3A_171 : memref<128x16xf32, #tpu.memory_space<vmem>>) offsets(%dma_start3A_172 : memref<128xi32, #tpu.memory_space<vmem>>) semaphore(%arg22 : memref<!tpu.dma_semaphore, #tpu.memory_space<semaphore_mem>>)
      } else {
      }
      %eq3A_136 = arith.constant 0 : i32
      %eq3A_137 = arith.cmpi eq, %rem3A_120, %eq3A_136 : i32
      %convert_element_type3A_138 = arith.extui %eq3A_137 : i1 to i32
      %cond3A_139 = arith.constant 0 : i32
      %cond3A_140 = arith.cmpi ne, %convert_element_type3A_138, %cond3A_139 : i32
      scf.if %cond3A_140 {
        %mul3A_152 = arith.constant 128 : i32
        %mul3A_153 = arith.muli %while3A_118, %mul3A_152 : i32
        %dma_wait3A = arith.constant 0 : i32
        %dma_wait3A_154 = arith.constant 0 : i32
        %dma_wait3A_155 = tpu.memref_slice %arg18[%dma_wait3A, %dma_wait3A_154] : memref<256x16xf32, #tpu.memory_space<vmem>> -> memref<128x16xf32, #tpu.memory_space<vmem>>
        %dma_wait3A_156 = tpu.memref_slice %arg14[%mul3A_153] : memref<3344xi32, #tpu.memory_space<vmem>> -> memref<128xi32, #tpu.memory_space<vmem>>
        %dma_wait3A_157 = arith.constant 0 : i32
        %dma_wait3A_158 = arith.constant 0 : i32
        %dma_wait3A_159 = tpu.memref_slice %arg2[%dma_wait3A_157, %dma_wait3A_158] : memref<16384x16xf32, #tpu.memory_space<hbm>> -> memref<16384x16xf32, #tpu.memory_space<hbm>>
        tpu.wait_indirect_dma semaphore(%arg22 : memref<!tpu.dma_semaphore, #tpu.memory_space<semaphore_mem>>) src(%dma_wait3A_159 : memref<16384x16xf32, #tpu.memory_space<hbm>>) dst(%dma_wait3A_155 : memref<128x16xf32, #tpu.memory_space<vmem>>)
        %dma_wait3A_160 = arith.constant 0 : i32
        %dma_wait3A_161 = arith.constant 0 : i32
        %dma_wait3A_162 = tpu.memref_slice %arg19[%dma_wait3A_160, %dma_wait3A_161] : memref<256x16xf32, #tpu.memory_space<vmem>> -> memref<128x16xf32, #tpu.memory_space<vmem>>
        %dma_wait3A_163 = tpu.memref_slice %arg15[%mul3A_153] : memref<3344xi32, #tpu.memory_space<vmem>> -> memref<128xi32, #tpu.memory_space<vmem>>
        %dma_wait3A_164 = arith.constant 0 : i32
        %dma_wait3A_165 = arith.constant 0 : i32
        %dma_wait3A_166 = tpu.memref_slice %arg2[%dma_wait3A_164, %dma_wait3A_165] : memref<16384x16xf32, #tpu.memory_space<hbm>> -> memref<16384x16xf32, #tpu.memory_space<hbm>>
        tpu.wait_indirect_dma semaphore(%arg22 : memref<!tpu.dma_semaphore, #tpu.memory_space<semaphore_mem>>) src(%dma_wait3A_166 : memref<16384x16xf32, #tpu.memory_space<hbm>>) dst(%dma_wait3A_162 : memref<128x16xf32, #tpu.memory_space<vmem>>)
        %dma_wait3A_167 = arith.constant 0 : i32
        %dma_wait3A_168 = arith.constant 0 : i32
        %dma_wait3A_169 = tpu.memref_slice %arg20[%dma_wait3A_167, %dma_wait3A_168] : memref<256x16xf32, #tpu.memory_space<vmem>> -> memref<128x16xf32, #tpu.memory_space<vmem>>
        %dma_wait3A_170 = tpu.memref_slice %arg16[%mul3A_153] : memref<3344xi32, #tpu.memory_space<vmem>> -> memref<128xi32, #tpu.memory_space<vmem>>
        %dma_wait3A_171 = arith.constant 0 : i32
        %dma_wait3A_172 = arith.constant 0 : i32
        %dma_wait3A_173 = tpu.memref_slice %arg2[%dma_wait3A_171, %dma_wait3A_172] : memref<16384x16xf32, #tpu.memory_space<hbm>> -> memref<16384x16xf32, #tpu.memory_space<hbm>>
        tpu.wait_indirect_dma semaphore(%arg22 : memref<!tpu.dma_semaphore, #tpu.memory_space<semaphore_mem>>) src(%dma_wait3A_173 : memref<16384x16xf32, #tpu.memory_space<hbm>>) dst(%dma_wait3A_169 : memref<128x16xf32, #tpu.memory_space<vmem>>)
      } else {
      }
      %eq3A_141 = arith.constant 1 : i32
      %eq3A_142 = arith.cmpi eq, %rem3A_120, %eq3A_141 : i32
      %convert_element_type3A_143 = arith.extui %eq3A_142 : i1 to i32
      %cond3A_144 = arith.constant 0 : i32
      %cond3A_145 = arith.cmpi ne, %convert_element_type3A_143, %cond3A_144 : i32
      scf.if %cond3A_145 {
        %mul3A_152 = arith.constant 128 : i32
        %mul3A_153 = arith.muli %while3A_118, %mul3A_152 : i32
        %dma_wait3A = arith.constant 128 : i32
        %dma_wait3A_154 = arith.constant 0 : i32
        %dma_wait3A_155 = tpu.memref_slice %arg18[%dma_wait3A, %dma_wait3A_154] : memref<256x16xf32, #tpu.memory_space<vmem>> -> memref<128x16xf32, #tpu.memory_space<vmem>>
        %dma_wait3A_156 = tpu.memref_slice %arg14[%mul3A_153] : memref<3344xi32, #tpu.memory_space<vmem>> -> memref<128xi32, #tpu.memory_space<vmem>>
        %dma_wait3A_157 = arith.constant 0 : i32
        %dma_wait3A_158 = arith.constant 0 : i32
        %dma_wait3A_159 = tpu.memref_slice %arg2[%dma_wait3A_157, %dma_wait3A_158] : memref<16384x16xf32, #tpu.memory_space<hbm>> -> memref<16384x16xf32, #tpu.memory_space<hbm>>
        tpu.wait_indirect_dma semaphore(%arg23 : memref<!tpu.dma_semaphore, #tpu.memory_space<semaphore_mem>>) src(%dma_wait3A_159 : memref<16384x16xf32, #tpu.memory_space<hbm>>) dst(%dma_wait3A_155 : memref<128x16xf32, #tpu.memory_space<vmem>>)
        %dma_wait3A_160 = arith.constant 128 : i32
        %dma_wait3A_161 = arith.constant 0 : i32
        %dma_wait3A_162 = tpu.memref_slice %arg19[%dma_wait3A_160, %dma_wait3A_161] : memref<256x16xf32, #tpu.memory_space<vmem>> -> memref<128x16xf32, #tpu.memory_space<vmem>>
        %dma_wait3A_163 = tpu.memref_slice %arg15[%mul3A_153] : memref<3344xi32, #tpu.memory_space<vmem>> -> memref<128xi32, #tpu.memory_space<vmem>>
        %dma_wait3A_164 = arith.constant 0 : i32
        %dma_wait3A_165 = arith.constant 0 : i32
        %dma_wait3A_166 = tpu.memref_slice %arg2[%dma_wait3A_164, %dma_wait3A_165] : memref<16384x16xf32, #tpu.memory_space<hbm>> -> memref<16384x16xf32, #tpu.memory_space<hbm>>
        tpu.wait_indirect_dma semaphore(%arg23 : memref<!tpu.dma_semaphore, #tpu.memory_space<semaphore_mem>>) src(%dma_wait3A_166 : memref<16384x16xf32, #tpu.memory_space<hbm>>) dst(%dma_wait3A_162 : memref<128x16xf32, #tpu.memory_space<vmem>>)
        %dma_wait3A_167 = arith.constant 128 : i32
        %dma_wait3A_168 = arith.constant 0 : i32
        %dma_wait3A_169 = tpu.memref_slice %arg20[%dma_wait3A_167, %dma_wait3A_168] : memref<256x16xf32, #tpu.memory_space<vmem>> -> memref<128x16xf32, #tpu.memory_space<vmem>>
        %dma_wait3A_170 = tpu.memref_slice %arg16[%mul3A_153] : memref<3344xi32, #tpu.memory_space<vmem>> -> memref<128xi32, #tpu.memory_space<vmem>>
        %dma_wait3A_171 = arith.constant 0 : i32
        %dma_wait3A_172 = arith.constant 0 : i32
        %dma_wait3A_173 = tpu.memref_slice %arg2[%dma_wait3A_171, %dma_wait3A_172] : memref<16384x16xf32, #tpu.memory_space<hbm>> -> memref<16384x16xf32, #tpu.memory_space<hbm>>
        tpu.wait_indirect_dma semaphore(%arg23 : memref<!tpu.dma_semaphore, #tpu.memory_space<semaphore_mem>>) src(%dma_wait3A_173 : memref<16384x16xf32, #tpu.memory_space<hbm>>) dst(%dma_wait3A_169 : memref<128x16xf32, #tpu.memory_space<vmem>>)
      } else {
      }
      %mul3A_146 = arith.constant 128 : i32
      %mul3A_147 = arith.muli %rem3A_120, %mul3A_146 : i32
      %parallel_loop3A_148 = arith.constant 0 : i32
      %parallel_loop3A_149 = arith.constant 8 : i32
      %parallel_loop3A_150 = arith.constant 1 : i32
      %parallel_loop3A_151 = scf.for %parallel_loop3A_152 = %parallel_loop3A_148 to %parallel_loop3A_149 step %parallel_loop3A_150 iter_args(%parallel_loop3A_153 = %while3A_119) -> (vector<16xf32>)  : i32 {
        %parallel_loop3A_154 = arith.constant 16 : i32
        %parallel_loop3A_155 = arith.muli %parallel_loop3A_152, %parallel_loop3A_154 : i32
        %parallel_loop3A_156 = arith.addi %mul3A_147, %parallel_loop3A_155 : i32
        %parallel_loop3A_157 = vector.broadcast %parallel_loop3A_156 : i32 to vector<16xi32>
        %parallel_loop3A_158 = arith.addi %parallel_loop3A_157, %iota3A : vector<16xi32>
        %parallel_loop3A_159 = arith.constant 0 : i32
        %parallel_loop3A_160 = vector.broadcast %parallel_loop3A_159 : i32 to vector<16xi32>
        %parallel_loop3A_161 = arith.addi %iota3A, %parallel_loop3A_160 : vector<16xi32>
        %parallel_loop3A_162 = arith.constant 15 : i32
        %parallel_loop3A_163 = vector.broadcast %parallel_loop3A_162 : i32 to vector<16xi32>
        %parallel_loop3A_164 = arith.andi %parallel_loop3A_161, %parallel_loop3A_163 : vector<16xi32>
        %parallel_loop3A_165 = tpu.vector_load_idx %arg18[%parallel_loop3A_158, %parallel_loop3A_164] : memref<256x16xf32, #tpu.memory_space<vmem>>[vector<16xi32>, vector<16xi32>], vector<16xf32>,
        %parallel_loop3A_166 = tpu.vector_load_idx %arg19[%parallel_loop3A_158, %parallel_loop3A_164] : memref<256x16xf32, #tpu.memory_space<vmem>>[vector<16xi32>, vector<16xi32>], vector<16xf32>,
        %parallel_loop3A_167 = tpu.vector_load_idx %arg20[%parallel_loop3A_158, %parallel_loop3A_164] : memref<256x16xf32, #tpu.memory_space<vmem>>[vector<16xi32>, vector<16xi32>], vector<16xf32>,
        %parallel_loop3A_168 = arith.subf %parallel_loop3A_165, %parallel_loop3A_166 : vector<16xf32>
        %parallel_loop3A_169 = arith.mulf %parallel_loop3A_168, %parallel_loop3A_168 : vector<16xf32>
        %parallel_loop3A_170 = arith.addf %broadcast_in_dim3A_1, %parallel_loop3A_169 : vector<16xf32>
        %parallel_loop3A_171 = arith.subf %parallel_loop3A_165, %parallel_loop3A_167 : vector<16xf32>
        %parallel_loop3A_172 = arith.mulf %parallel_loop3A_171, %parallel_loop3A_171 : vector<16xf32>
        %parallel_loop3A_173 = arith.addf %broadcast_in_dim3A_1, %parallel_loop3A_172 : vector<16xf32>
        %parallel_loop3A_174 = arith.constant 1 : i32
        %parallel_loop3A_175 = vector.broadcast %parallel_loop3A_174 : i32 to vector<16xi32>
        %parallel_loop3A_176 = arith.addi %iota3A, %parallel_loop3A_175 : vector<16xi32>
        %parallel_loop3A_177 = arith.constant 15 : i32
        %parallel_loop3A_178 = vector.broadcast %parallel_loop3A_177 : i32 to vector<16xi32>
        %parallel_loop3A_179 = arith.andi %parallel_loop3A_176, %parallel_loop3A_178 : vector<16xi32>
        %parallel_loop3A_180 = tpu.vector_load_idx %arg18[%parallel_loop3A_158, %parallel_loop3A_179] : memref<256x16xf32, #tpu.memory_space<vmem>>[vector<16xi32>, vector<16xi32>], vector<16xf32>,
        %parallel_loop3A_181 = tpu.vector_load_idx %arg19[%parallel_loop3A_158, %parallel_loop3A_179] : memref<256x16xf32, #tpu.memory_space<vmem>>[vector<16xi32>, vector<16xi32>], vector<16xf32>,
        %parallel_loop3A_182 = tpu.vector_load_idx %arg20[%parallel_loop3A_158, %parallel_loop3A_179] : memref<256x16xf32, #tpu.memory_space<vmem>>[vector<16xi32>, vector<16xi32>], vector<16xf32>,
        %parallel_loop3A_183 = arith.subf %parallel_loop3A_180, %parallel_loop3A_181 : vector<16xf32>
        %parallel_loop3A_184 = arith.mulf %parallel_loop3A_183, %parallel_loop3A_183 : vector<16xf32>
        %parallel_loop3A_185 = arith.addf %parallel_loop3A_170, %parallel_loop3A_184 : vector<16xf32>
        %parallel_loop3A_186 = arith.subf %parallel_loop3A_180, %parallel_loop3A_182 : vector<16xf32>
        %parallel_loop3A_187 = arith.mulf %parallel_loop3A_186, %parallel_loop3A_186 : vector<16xf32>
        %parallel_loop3A_188 = arith.addf %parallel_loop3A_173, %parallel_loop3A_187 : vector<16xf32>
        %parallel_loop3A_189 = arith.constant 2 : i32
        %parallel_loop3A_190 = vector.broadcast %parallel_loop3A_189 : i32 to vector<16xi32>
        %parallel_loop3A_191 = arith.addi %iota3A, %parallel_loop3A_190 : vector<16xi32>
        %parallel_loop3A_192 = arith.constant 15 : i32
        %parallel_loop3A_193 = vector.broadcast %parallel_loop3A_192 : i32 to vector<16xi32>
        %parallel_loop3A_194 = arith.andi %parallel_loop3A_191, %parallel_loop3A_193 : vector<16xi32>
        %parallel_loop3A_195 = tpu.vector_load_idx %arg18[%parallel_loop3A_158, %parallel_loop3A_194] : memref<256x16xf32, #tpu.memory_space<vmem>>[vector<16xi32>, vector<16xi32>], vector<16xf32>,
        %parallel_loop3A_196 = tpu.vector_load_idx %arg19[%parallel_loop3A_158, %parallel_loop3A_194] : memref<256x16xf32, #tpu.memory_space<vmem>>[vector<16xi32>, vector<16xi32>], vector<16xf32>,
        %parallel_loop3A_197 = tpu.vector_load_idx %arg20[%parallel_loop3A_158, %parallel_loop3A_194] : memref<256x16xf32, #tpu.memory_space<vmem>>[vector<16xi32>, vector<16xi32>], vector<16xf32>,
        %parallel_loop3A_198 = arith.subf %parallel_loop3A_195, %parallel_loop3A_196 : vector<16xf32>
        %parallel_loop3A_199 = arith.mulf %parallel_loop3A_198, %parallel_loop3A_198 : vector<16xf32>
        %parallel_loop3A_200 = arith.addf %parallel_loop3A_185, %parallel_loop3A_199 : vector<16xf32>
        %parallel_loop3A_201 = arith.subf %parallel_loop3A_195, %parallel_loop3A_197 : vector<16xf32>
        %parallel_loop3A_202 = arith.mulf %parallel_loop3A_201, %parallel_loop3A_201 : vector<16xf32>
        %parallel_loop3A_203 = arith.addf %parallel_loop3A_188, %parallel_loop3A_202 : vector<16xf32>
        %parallel_loop3A_204 = arith.constant 3 : i32
        %parallel_loop3A_205 = vector.broadcast %parallel_loop3A_204 : i32 to vector<16xi32>
        %parallel_loop3A_206 = arith.addi %iota3A, %parallel_loop3A_205 : vector<16xi32>
        %parallel_loop3A_207 = arith.constant 15 : i32
        %parallel_loop3A_208 = vector.broadcast %parallel_loop3A_207 : i32 to vector<16xi32>
        %parallel_loop3A_209 = arith.andi %parallel_loop3A_206, %parallel_loop3A_208 : vector<16xi32>
        %parallel_loop3A_210 = tpu.vector_load_idx %arg18[%parallel_loop3A_158, %parallel_loop3A_209] : memref<256x16xf32, #tpu.memory_space<vmem>>[vector<16xi32>, vector<16xi32>], vector<16xf32>,
        %parallel_loop3A_211 = tpu.vector_load_idx %arg19[%parallel_loop3A_158, %parallel_loop3A_209] : memref<256x16xf32, #tpu.memory_space<vmem>>[vector<16xi32>, vector<16xi32>], vector<16xf32>,
        %parallel_loop3A_212 = tpu.vector_load_idx %arg20[%parallel_loop3A_158, %parallel_loop3A_209] : memref<256x16xf32, #tpu.memory_space<vmem>>[vector<16xi32>, vector<16xi32>], vector<16xf32>,
        %parallel_loop3A_213 = arith.subf %parallel_loop3A_210, %parallel_loop3A_211 : vector<16xf32>
        %parallel_loop3A_214 = arith.mulf %parallel_loop3A_213, %parallel_loop3A_213 : vector<16xf32>
        %parallel_loop3A_215 = arith.addf %parallel_loop3A_200, %parallel_loop3A_214 : vector<16xf32>
        %parallel_loop3A_216 = arith.subf %parallel_loop3A_210, %parallel_loop3A_212 : vector<16xf32>
        %parallel_loop3A_217 = arith.mulf %parallel_loop3A_216, %parallel_loop3A_216 : vector<16xf32>
        %parallel_loop3A_218 = arith.addf %parallel_loop3A_203, %parallel_loop3A_217 : vector<16xf32>
        %parallel_loop3A_219 = arith.constant 4 : i32
        %parallel_loop3A_220 = vector.broadcast %parallel_loop3A_219 : i32 to vector<16xi32>
        %parallel_loop3A_221 = arith.addi %iota3A, %parallel_loop3A_220 : vector<16xi32>
        %parallel_loop3A_222 = arith.constant 15 : i32
        %parallel_loop3A_223 = vector.broadcast %parallel_loop3A_222 : i32 to vector<16xi32>
        %parallel_loop3A_224 = arith.andi %parallel_loop3A_221, %parallel_loop3A_223 : vector<16xi32>
        %parallel_loop3A_225 = tpu.vector_load_idx %arg18[%parallel_loop3A_158, %parallel_loop3A_224] : memref<256x16xf32, #tpu.memory_space<vmem>>[vector<16xi32>, vector<16xi32>], vector<16xf32>,
        %parallel_loop3A_226 = tpu.vector_load_idx %arg19[%parallel_loop3A_158, %parallel_loop3A_224] : memref<256x16xf32, #tpu.memory_space<vmem>>[vector<16xi32>, vector<16xi32>], vector<16xf32>,
        %parallel_loop3A_227 = tpu.vector_load_idx %arg20[%parallel_loop3A_158, %parallel_loop3A_224] : memref<256x16xf32, #tpu.memory_space<vmem>>[vector<16xi32>, vector<16xi32>], vector<16xf32>,
        %parallel_loop3A_228 = arith.subf %parallel_loop3A_225, %parallel_loop3A_226 : vector<16xf32>
        %parallel_loop3A_229 = arith.mulf %parallel_loop3A_228, %parallel_loop3A_228 : vector<16xf32>
        %parallel_loop3A_230 = arith.addf %parallel_loop3A_215, %parallel_loop3A_229 : vector<16xf32>
        %parallel_loop3A_231 = arith.subf %parallel_loop3A_225, %parallel_loop3A_227 : vector<16xf32>
        %parallel_loop3A_232 = arith.mulf %parallel_loop3A_231, %parallel_loop3A_231 : vector<16xf32>
        %parallel_loop3A_233 = arith.addf %parallel_loop3A_218, %parallel_loop3A_232 : vector<16xf32>
        %parallel_loop3A_234 = arith.constant 5 : i32
        %parallel_loop3A_235 = vector.broadcast %parallel_loop3A_234 : i32 to vector<16xi32>
        %parallel_loop3A_236 = arith.addi %iota3A, %parallel_loop3A_235 : vector<16xi32>
        %parallel_loop3A_237 = arith.constant 15 : i32
        %parallel_loop3A_238 = vector.broadcast %parallel_loop3A_237 : i32 to vector<16xi32>
        %parallel_loop3A_239 = arith.andi %parallel_loop3A_236, %parallel_loop3A_238 : vector<16xi32>
        %parallel_loop3A_240 = tpu.vector_load_idx %arg18[%parallel_loop3A_158, %parallel_loop3A_239] : memref<256x16xf32, #tpu.memory_space<vmem>>[vector<16xi32>, vector<16xi32>], vector<16xf32>,
        %parallel_loop3A_241 = tpu.vector_load_idx %arg19[%parallel_loop3A_158, %parallel_loop3A_239] : memref<256x16xf32, #tpu.memory_space<vmem>>[vector<16xi32>, vector<16xi32>], vector<16xf32>,
        %parallel_loop3A_242 = tpu.vector_load_idx %arg20[%parallel_loop3A_158, %parallel_loop3A_239] : memref<256x16xf32, #tpu.memory_space<vmem>>[vector<16xi32>, vector<16xi32>], vector<16xf32>,
        %parallel_loop3A_243 = arith.subf %parallel_loop3A_240, %parallel_loop3A_241 : vector<16xf32>
        %parallel_loop3A_244 = arith.mulf %parallel_loop3A_243, %parallel_loop3A_243 : vector<16xf32>
        %parallel_loop3A_245 = arith.addf %parallel_loop3A_230, %parallel_loop3A_244 : vector<16xf32>
        %parallel_loop3A_246 = arith.subf %parallel_loop3A_240, %parallel_loop3A_242 : vector<16xf32>
        %parallel_loop3A_247 = arith.mulf %parallel_loop3A_246, %parallel_loop3A_246 : vector<16xf32>
        %parallel_loop3A_248 = arith.addf %parallel_loop3A_233, %parallel_loop3A_247 : vector<16xf32>
        %parallel_loop3A_249 = arith.constant 6 : i32
        %parallel_loop3A_250 = vector.broadcast %parallel_loop3A_249 : i32 to vector<16xi32>
        %parallel_loop3A_251 = arith.addi %iota3A, %parallel_loop3A_250 : vector<16xi32>
        %parallel_loop3A_252 = arith.constant 15 : i32
        %parallel_loop3A_253 = vector.broadcast %parallel_loop3A_252 : i32 to vector<16xi32>
        %parallel_loop3A_254 = arith.andi %parallel_loop3A_251, %parallel_loop3A_253 : vector<16xi32>
        %parallel_loop3A_255 = tpu.vector_load_idx %arg18[%parallel_loop3A_158, %parallel_loop3A_254] : memref<256x16xf32, #tpu.memory_space<vmem>>[vector<16xi32>, vector<16xi32>], vector<16xf32>,
        %parallel_loop3A_256 = tpu.vector_load_idx %arg19[%parallel_loop3A_158, %parallel_loop3A_254] : memref<256x16xf32, #tpu.memory_space<vmem>>[vector<16xi32>, vector<16xi32>], vector<16xf32>,
        %parallel_loop3A_257 = tpu.vector_load_idx %arg20[%parallel_loop3A_158, %parallel_loop3A_254] : memref<256x16xf32, #tpu.memory_space<vmem>>[vector<16xi32>, vector<16xi32>], vector<16xf32>,
        %parallel_loop3A_258 = arith.subf %parallel_loop3A_255, %parallel_loop3A_256 : vector<16xf32>
        %parallel_loop3A_259 = arith.mulf %parallel_loop3A_258, %parallel_loop3A_258 : vector<16xf32>
        %parallel_loop3A_260 = arith.addf %parallel_loop3A_245, %parallel_loop3A_259 : vector<16xf32>
        %parallel_loop3A_261 = arith.subf %parallel_loop3A_255, %parallel_loop3A_257 : vector<16xf32>
        %parallel_loop3A_262 = arith.mulf %parallel_loop3A_261, %parallel_loop3A_261 : vector<16xf32>
        %parallel_loop3A_263 = arith.addf %parallel_loop3A_248, %parallel_loop3A_262 : vector<16xf32>
        %parallel_loop3A_264 = arith.constant 7 : i32
        %parallel_loop3A_265 = vector.broadcast %parallel_loop3A_264 : i32 to vector<16xi32>
        %parallel_loop3A_266 = arith.addi %iota3A, %parallel_loop3A_265 : vector<16xi32>
        %parallel_loop3A_267 = arith.constant 15 : i32
        %parallel_loop3A_268 = vector.broadcast %parallel_loop3A_267 : i32 to vector<16xi32>
        %parallel_loop3A_269 = arith.andi %parallel_loop3A_266, %parallel_loop3A_268 : vector<16xi32>
        %parallel_loop3A_270 = tpu.vector_load_idx %arg18[%parallel_loop3A_158, %parallel_loop3A_269] : memref<256x16xf32, #tpu.memory_space<vmem>>[vector<16xi32>, vector<16xi32>], vector<16xf32>,
        %parallel_loop3A_271 = tpu.vector_load_idx %arg19[%parallel_loop3A_158, %parallel_loop3A_269] : memref<256x16xf32, #tpu.memory_space<vmem>>[vector<16xi32>, vector<16xi32>], vector<16xf32>,
        %parallel_loop3A_272 = tpu.vector_load_idx %arg20[%parallel_loop3A_158, %parallel_loop3A_269] : memref<256x16xf32, #tpu.memory_space<vmem>>[vector<16xi32>, vector<16xi32>], vector<16xf32>,
        %parallel_loop3A_273 = arith.subf %parallel_loop3A_270, %parallel_loop3A_271 : vector<16xf32>
        %parallel_loop3A_274 = arith.mulf %parallel_loop3A_273, %parallel_loop3A_273 : vector<16xf32>
        %parallel_loop3A_275 = arith.addf %parallel_loop3A_260, %parallel_loop3A_274 : vector<16xf32>
        %parallel_loop3A_276 = arith.subf %parallel_loop3A_270, %parallel_loop3A_272 : vector<16xf32>
        %parallel_loop3A_277 = arith.mulf %parallel_loop3A_276, %parallel_loop3A_276 : vector<16xf32>
        %parallel_loop3A_278 = arith.addf %parallel_loop3A_263, %parallel_loop3A_277 : vector<16xf32>
        %parallel_loop3A_279 = arith.constant 8 : i32
        %parallel_loop3A_280 = vector.broadcast %parallel_loop3A_279 : i32 to vector<16xi32>
        %parallel_loop3A_281 = arith.addi %iota3A, %parallel_loop3A_280 : vector<16xi32>
        %parallel_loop3A_282 = arith.constant 15 : i32
        %parallel_loop3A_283 = vector.broadcast %parallel_loop3A_282 : i32 to vector<16xi32>
        %parallel_loop3A_284 = arith.andi %parallel_loop3A_281, %parallel_loop3A_283 : vector<16xi32>
        %parallel_loop3A_285 = tpu.vector_load_idx %arg18[%parallel_loop3A_158, %parallel_loop3A_284] : memref<256x16xf32, #tpu.memory_space<vmem>>[vector<16xi32>, vector<16xi32>], vector<16xf32>,
        %parallel_loop3A_286 = tpu.vector_load_idx %arg19[%parallel_loop3A_158, %parallel_loop3A_284] : memref<256x16xf32, #tpu.memory_space<vmem>>[vector<16xi32>, vector<16xi32>], vector<16xf32>,
        %parallel_loop3A_287 = tpu.vector_load_idx %arg20[%parallel_loop3A_158, %parallel_loop3A_284] : memref<256x16xf32, #tpu.memory_space<vmem>>[vector<16xi32>, vector<16xi32>], vector<16xf32>,
        %parallel_loop3A_288 = arith.subf %parallel_loop3A_285, %parallel_loop3A_286 : vector<16xf32>
        %parallel_loop3A_289 = arith.mulf %parallel_loop3A_288, %parallel_loop3A_288 : vector<16xf32>
        %parallel_loop3A_290 = arith.addf %parallel_loop3A_275, %parallel_loop3A_289 : vector<16xf32>
        %parallel_loop3A_291 = arith.subf %parallel_loop3A_285, %parallel_loop3A_287 : vector<16xf32>
        %parallel_loop3A_292 = arith.mulf %parallel_loop3A_291, %parallel_loop3A_291 : vector<16xf32>
        %parallel_loop3A_293 = arith.addf %parallel_loop3A_278, %parallel_loop3A_292 : vector<16xf32>
        %parallel_loop3A_294 = arith.constant 9 : i32
        %parallel_loop3A_295 = vector.broadcast %parallel_loop3A_294 : i32 to vector<16xi32>
        %parallel_loop3A_296 = arith.addi %iota3A, %parallel_loop3A_295 : vector<16xi32>
        %parallel_loop3A_297 = arith.constant 15 : i32
        %parallel_loop3A_298 = vector.broadcast %parallel_loop3A_297 : i32 to vector<16xi32>
        %parallel_loop3A_299 = arith.andi %parallel_loop3A_296, %parallel_loop3A_298 : vector<16xi32>
        %parallel_loop3A_300 = tpu.vector_load_idx %arg18[%parallel_loop3A_158, %parallel_loop3A_299] : memref<256x16xf32, #tpu.memory_space<vmem>>[vector<16xi32>, vector<16xi32>], vector<16xf32>,
        %parallel_loop3A_301 = tpu.vector_load_idx %arg19[%parallel_loop3A_158, %parallel_loop3A_299] : memref<256x16xf32, #tpu.memory_space<vmem>>[vector<16xi32>, vector<16xi32>], vector<16xf32>,
        %parallel_loop3A_302 = tpu.vector_load_idx %arg20[%parallel_loop3A_158, %parallel_loop3A_299] : memref<256x16xf32, #tpu.memory_space<vmem>>[vector<16xi32>, vector<16xi32>], vector<16xf32>,
        %parallel_loop3A_303 = arith.subf %parallel_loop3A_300, %parallel_loop3A_301 : vector<16xf32>
        %parallel_loop3A_304 = arith.mulf %parallel_loop3A_303, %parallel_loop3A_303 : vector<16xf32>
        %parallel_loop3A_305 = arith.addf %parallel_loop3A_290, %parallel_loop3A_304 : vector<16xf32>
        %parallel_loop3A_306 = arith.subf %parallel_loop3A_300, %parallel_loop3A_302 : vector<16xf32>
        %parallel_loop3A_307 = arith.mulf %parallel_loop3A_306, %parallel_loop3A_306 : vector<16xf32>
        %parallel_loop3A_308 = arith.addf %parallel_loop3A_293, %parallel_loop3A_307 : vector<16xf32>
        %parallel_loop3A_309 = arith.constant 10 : i32
        %parallel_loop3A_310 = vector.broadcast %parallel_loop3A_309 : i32 to vector<16xi32>
        %parallel_loop3A_311 = arith.addi %iota3A, %parallel_loop3A_310 : vector<16xi32>
        %parallel_loop3A_312 = arith.constant 15 : i32
        %parallel_loop3A_313 = vector.broadcast %parallel_loop3A_312 : i32 to vector<16xi32>
        %parallel_loop3A_314 = arith.andi %parallel_loop3A_311, %parallel_loop3A_313 : vector<16xi32>
        %parallel_loop3A_315 = tpu.vector_load_idx %arg18[%parallel_loop3A_158, %parallel_loop3A_314] : memref<256x16xf32, #tpu.memory_space<vmem>>[vector<16xi32>, vector<16xi32>], vector<16xf32>,
        %parallel_loop3A_316 = tpu.vector_load_idx %arg19[%parallel_loop3A_158, %parallel_loop3A_314] : memref<256x16xf32, #tpu.memory_space<vmem>>[vector<16xi32>, vector<16xi32>], vector<16xf32>,
        %parallel_loop3A_317 = tpu.vector_load_idx %arg20[%parallel_loop3A_158, %parallel_loop3A_314] : memref<256x16xf32, #tpu.memory_space<vmem>>[vector<16xi32>, vector<16xi32>], vector<16xf32>,
        %parallel_loop3A_318 = arith.subf %parallel_loop3A_315, %parallel_loop3A_316 : vector<16xf32>
        %parallel_loop3A_319 = arith.mulf %parallel_loop3A_318, %parallel_loop3A_318 : vector<16xf32>
        %parallel_loop3A_320 = arith.addf %parallel_loop3A_305, %parallel_loop3A_319 : vector<16xf32>
        %parallel_loop3A_321 = arith.subf %parallel_loop3A_315, %parallel_loop3A_317 : vector<16xf32>
        %parallel_loop3A_322 = arith.mulf %parallel_loop3A_321, %parallel_loop3A_321 : vector<16xf32>
        %parallel_loop3A_323 = arith.addf %parallel_loop3A_308, %parallel_loop3A_322 : vector<16xf32>
        %parallel_loop3A_324 = arith.constant 11 : i32
        %parallel_loop3A_325 = vector.broadcast %parallel_loop3A_324 : i32 to vector<16xi32>
        %parallel_loop3A_326 = arith.addi %iota3A, %parallel_loop3A_325 : vector<16xi32>
        %parallel_loop3A_327 = arith.constant 15 : i32
        %parallel_loop3A_328 = vector.broadcast %parallel_loop3A_327 : i32 to vector<16xi32>
        %parallel_loop3A_329 = arith.andi %parallel_loop3A_326, %parallel_loop3A_328 : vector<16xi32>
        %parallel_loop3A_330 = tpu.vector_load_idx %arg18[%parallel_loop3A_158, %parallel_loop3A_329] : memref<256x16xf32, #tpu.memory_space<vmem>>[vector<16xi32>, vector<16xi32>], vector<16xf32>,
        %parallel_loop3A_331 = tpu.vector_load_idx %arg19[%parallel_loop3A_158, %parallel_loop3A_329] : memref<256x16xf32, #tpu.memory_space<vmem>>[vector<16xi32>, vector<16xi32>], vector<16xf32>,
        %parallel_loop3A_332 = tpu.vector_load_idx %arg20[%parallel_loop3A_158, %parallel_loop3A_329] : memref<256x16xf32, #tpu.memory_space<vmem>>[vector<16xi32>, vector<16xi32>], vector<16xf32>,
        %parallel_loop3A_333 = arith.subf %parallel_loop3A_330, %parallel_loop3A_331 : vector<16xf32>
        %parallel_loop3A_334 = arith.mulf %parallel_loop3A_333, %parallel_loop3A_333 : vector<16xf32>
        %parallel_loop3A_335 = arith.addf %parallel_loop3A_320, %parallel_loop3A_334 : vector<16xf32>
        %parallel_loop3A_336 = arith.subf %parallel_loop3A_330, %parallel_loop3A_332 : vector<16xf32>
        %parallel_loop3A_337 = arith.mulf %parallel_loop3A_336, %parallel_loop3A_336 : vector<16xf32>
        %parallel_loop3A_338 = arith.addf %parallel_loop3A_323, %parallel_loop3A_337 : vector<16xf32>
        %parallel_loop3A_339 = arith.constant 12 : i32
        %parallel_loop3A_340 = vector.broadcast %parallel_loop3A_339 : i32 to vector<16xi32>
        %parallel_loop3A_341 = arith.addi %iota3A, %parallel_loop3A_340 : vector<16xi32>
        %parallel_loop3A_342 = arith.constant 15 : i32
        %parallel_loop3A_343 = vector.broadcast %parallel_loop3A_342 : i32 to vector<16xi32>
        %parallel_loop3A_344 = arith.andi %parallel_loop3A_341, %parallel_loop3A_343 : vector<16xi32>
        %parallel_loop3A_345 = tpu.vector_load_idx %arg18[%parallel_loop3A_158, %parallel_loop3A_344] : memref<256x16xf32, #tpu.memory_space<vmem>>[vector<16xi32>, vector<16xi32>], vector<16xf32>,
        %parallel_loop3A_346 = tpu.vector_load_idx %arg19[%parallel_loop3A_158, %parallel_loop3A_344] : memref<256x16xf32, #tpu.memory_space<vmem>>[vector<16xi32>, vector<16xi32>], vector<16xf32>,
        %parallel_loop3A_347 = tpu.vector_load_idx %arg20[%parallel_loop3A_158, %parallel_loop3A_344] : memref<256x16xf32, #tpu.memory_space<vmem>>[vector<16xi32>, vector<16xi32>], vector<16xf32>,
        %parallel_loop3A_348 = arith.subf %parallel_loop3A_345, %parallel_loop3A_346 : vector<16xf32>
        %parallel_loop3A_349 = arith.mulf %parallel_loop3A_348, %parallel_loop3A_348 : vector<16xf32>
        %parallel_loop3A_350 = arith.addf %parallel_loop3A_335, %parallel_loop3A_349 : vector<16xf32>
        %parallel_loop3A_351 = arith.subf %parallel_loop3A_345, %parallel_loop3A_347 : vector<16xf32>
        %parallel_loop3A_352 = arith.mulf %parallel_loop3A_351, %parallel_loop3A_351 : vector<16xf32>
        %parallel_loop3A_353 = arith.addf %parallel_loop3A_338, %parallel_loop3A_352 : vector<16xf32>
        %parallel_loop3A_354 = arith.constant 13 : i32
        %parallel_loop3A_355 = vector.broadcast %parallel_loop3A_354 : i32 to vector<16xi32>
        %parallel_loop3A_356 = arith.addi %iota3A, %parallel_loop3A_355 : vector<16xi32>
        %parallel_loop3A_357 = arith.constant 15 : i32
        %parallel_loop3A_358 = vector.broadcast %parallel_loop3A_357 : i32 to vector<16xi32>
        %parallel_loop3A_359 = arith.andi %parallel_loop3A_356, %parallel_loop3A_358 : vector<16xi32>
        %parallel_loop3A_360 = tpu.vector_load_idx %arg18[%parallel_loop3A_158, %parallel_loop3A_359] : memref<256x16xf32, #tpu.memory_space<vmem>>[vector<16xi32>, vector<16xi32>], vector<16xf32>,
        %parallel_loop3A_361 = tpu.vector_load_idx %arg19[%parallel_loop3A_158, %parallel_loop3A_359] : memref<256x16xf32, #tpu.memory_space<vmem>>[vector<16xi32>, vector<16xi32>], vector<16xf32>,
        %parallel_loop3A_362 = tpu.vector_load_idx %arg20[%parallel_loop3A_158, %parallel_loop3A_359] : memref<256x16xf32, #tpu.memory_space<vmem>>[vector<16xi32>, vector<16xi32>], vector<16xf32>,
        %parallel_loop3A_363 = arith.subf %parallel_loop3A_360, %parallel_loop3A_361 : vector<16xf32>
        %parallel_loop3A_364 = arith.mulf %parallel_loop3A_363, %parallel_loop3A_363 : vector<16xf32>
        %parallel_loop3A_365 = arith.addf %parallel_loop3A_350, %parallel_loop3A_364 : vector<16xf32>
        %parallel_loop3A_366 = arith.subf %parallel_loop3A_360, %parallel_loop3A_362 : vector<16xf32>
        %parallel_loop3A_367 = arith.mulf %parallel_loop3A_366, %parallel_loop3A_366 : vector<16xf32>
        %parallel_loop3A_368 = arith.addf %parallel_loop3A_353, %parallel_loop3A_367 : vector<16xf32>
        %parallel_loop3A_369 = arith.constant 14 : i32
        %parallel_loop3A_370 = vector.broadcast %parallel_loop3A_369 : i32 to vector<16xi32>
        %parallel_loop3A_371 = arith.addi %iota3A, %parallel_loop3A_370 : vector<16xi32>
        %parallel_loop3A_372 = arith.constant 15 : i32
        %parallel_loop3A_373 = vector.broadcast %parallel_loop3A_372 : i32 to vector<16xi32>
        %parallel_loop3A_374 = arith.andi %parallel_loop3A_371, %parallel_loop3A_373 : vector<16xi32>
        %parallel_loop3A_375 = tpu.vector_load_idx %arg18[%parallel_loop3A_158, %parallel_loop3A_374] : memref<256x16xf32, #tpu.memory_space<vmem>>[vector<16xi32>, vector<16xi32>], vector<16xf32>,
        %parallel_loop3A_376 = tpu.vector_load_idx %arg19[%parallel_loop3A_158, %parallel_loop3A_374] : memref<256x16xf32, #tpu.memory_space<vmem>>[vector<16xi32>, vector<16xi32>], vector<16xf32>,
        %parallel_loop3A_377 = tpu.vector_load_idx %arg20[%parallel_loop3A_158, %parallel_loop3A_374] : memref<256x16xf32, #tpu.memory_space<vmem>>[vector<16xi32>, vector<16xi32>], vector<16xf32>,
        %parallel_loop3A_378 = arith.subf %parallel_loop3A_375, %parallel_loop3A_376 : vector<16xf32>
        %parallel_loop3A_379 = arith.mulf %parallel_loop3A_378, %parallel_loop3A_378 : vector<16xf32>
        %parallel_loop3A_380 = arith.addf %parallel_loop3A_365, %parallel_loop3A_379 : vector<16xf32>
        %parallel_loop3A_381 = arith.subf %parallel_loop3A_375, %parallel_loop3A_377 : vector<16xf32>
        %parallel_loop3A_382 = arith.mulf %parallel_loop3A_381, %parallel_loop3A_381 : vector<16xf32>
        %parallel_loop3A_383 = arith.addf %parallel_loop3A_368, %parallel_loop3A_382 : vector<16xf32>
        %parallel_loop3A_384 = arith.constant 15 : i32
        %parallel_loop3A_385 = vector.broadcast %parallel_loop3A_384 : i32 to vector<16xi32>
        %parallel_loop3A_386 = arith.addi %iota3A, %parallel_loop3A_385 : vector<16xi32>
        %parallel_loop3A_387 = arith.constant 15 : i32
        %parallel_loop3A_388 = vector.broadcast %parallel_loop3A_387 : i32 to vector<16xi32>
        %parallel_loop3A_389 = arith.andi %parallel_loop3A_386, %parallel_loop3A_388 : vector<16xi32>
        %parallel_loop3A_390 = tpu.vector_load_idx %arg18[%parallel_loop3A_158, %parallel_loop3A_389] : memref<256x16xf32, #tpu.memory_space<vmem>>[vector<16xi32>, vector<16xi32>], vector<16xf32>,
        %parallel_loop3A_391 = tpu.vector_load_idx %arg19[%parallel_loop3A_158, %parallel_loop3A_389] : memref<256x16xf32, #tpu.memory_space<vmem>>[vector<16xi32>, vector<16xi32>], vector<16xf32>,
        %parallel_loop3A_392 = tpu.vector_load_idx %arg20[%parallel_loop3A_158, %parallel_loop3A_389] : memref<256x16xf32, #tpu.memory_space<vmem>>[vector<16xi32>, vector<16xi32>], vector<16xf32>,
        %parallel_loop3A_393 = arith.subf %parallel_loop3A_390, %parallel_loop3A_391 : vector<16xf32>
        %parallel_loop3A_394 = arith.mulf %parallel_loop3A_393, %parallel_loop3A_393 : vector<16xf32>
        %parallel_loop3A_395 = arith.addf %parallel_loop3A_380, %parallel_loop3A_394 : vector<16xf32>
        %parallel_loop3A_396 = arith.subf %parallel_loop3A_390, %parallel_loop3A_392 : vector<16xf32>
        %parallel_loop3A_397 = arith.mulf %parallel_loop3A_396, %parallel_loop3A_396 : vector<16xf32>
        %parallel_loop3A_398 = arith.addf %parallel_loop3A_383, %parallel_loop3A_397 : vector<16xf32>
        %parallel_loop3A_399 = tpu.bitcast %parallel_loop3A_395 : vector<16xf32> -> vector<16xi32>
        %parallel_loop3A_400 = arith.constant 1597463007 : i32
        %parallel_loop3A_401 = vector.broadcast %parallel_loop3A_400 : i32 to vector<16xi32>
        %parallel_loop3A_402 = arith.constant 1 : i32
        %parallel_loop3A_403 = vector.broadcast %parallel_loop3A_402 : i32 to vector<16xi32>
        %parallel_loop3A_404 = arith.shrui %parallel_loop3A_399, %parallel_loop3A_403 : vector<16xi32>
        %parallel_loop3A_405 = arith.subi %parallel_loop3A_401, %parallel_loop3A_404 : vector<16xi32>
        %parallel_loop3A_406 = tpu.bitcast %parallel_loop3A_405 : vector<16xi32> -> vector<16xf32>
        %parallel_loop3A_407 = arith.constant 5.000000e-01 : f32
        %parallel_loop3A_408 = vector.broadcast %parallel_loop3A_407 : f32 to vector<16xf32>
        %parallel_loop3A_409 = arith.mulf %parallel_loop3A_395, %parallel_loop3A_408 : vector<16xf32>
        %parallel_loop3A_410 = arith.constant 1.500000e+00 : f32
        %parallel_loop3A_411 = vector.broadcast %parallel_loop3A_410 : f32 to vector<16xf32>
        %parallel_loop3A_412 = arith.mulf %parallel_loop3A_409, %parallel_loop3A_406 : vector<16xf32>
        %parallel_loop3A_413 = arith.mulf %parallel_loop3A_412, %parallel_loop3A_406 : vector<16xf32>
        %parallel_loop3A_414 = arith.subf %parallel_loop3A_411, %parallel_loop3A_413 : vector<16xf32>
        %parallel_loop3A_415 = arith.mulf %parallel_loop3A_406, %parallel_loop3A_414 : vector<16xf32>
        %parallel_loop3A_416 = arith.mulf %parallel_loop3A_409, %parallel_loop3A_415 : vector<16xf32>
        %parallel_loop3A_417 = arith.mulf %parallel_loop3A_416, %parallel_loop3A_415 : vector<16xf32>
        %parallel_loop3A_418 = arith.subf %parallel_loop3A_411, %parallel_loop3A_417 : vector<16xf32>
        %parallel_loop3A_419 = arith.mulf %parallel_loop3A_415, %parallel_loop3A_418 : vector<16xf32>
        %parallel_loop3A_420 = arith.mulf %parallel_loop3A_409, %parallel_loop3A_419 : vector<16xf32>
        %parallel_loop3A_421 = arith.mulf %parallel_loop3A_420, %parallel_loop3A_419 : vector<16xf32>
        %parallel_loop3A_422 = arith.subf %parallel_loop3A_411, %parallel_loop3A_421 : vector<16xf32>
        %parallel_loop3A_423 = arith.mulf %parallel_loop3A_419, %parallel_loop3A_422 : vector<16xf32>
        %parallel_loop3A_424 = arith.mulf %parallel_loop3A_395, %parallel_loop3A_423 : vector<16xf32>
        %parallel_loop3A_425 = tpu.bitcast %parallel_loop3A_398 : vector<16xf32> -> vector<16xi32>
        %parallel_loop3A_426 = arith.constant 1597463007 : i32
        %parallel_loop3A_427 = vector.broadcast %parallel_loop3A_426 : i32 to vector<16xi32>
        %parallel_loop3A_428 = arith.constant 1 : i32
        %parallel_loop3A_429 = vector.broadcast %parallel_loop3A_428 : i32 to vector<16xi32>
        %parallel_loop3A_430 = arith.shrui %parallel_loop3A_425, %parallel_loop3A_429 : vector<16xi32>
        %parallel_loop3A_431 = arith.subi %parallel_loop3A_427, %parallel_loop3A_430 : vector<16xi32>
        %parallel_loop3A_432 = tpu.bitcast %parallel_loop3A_431 : vector<16xi32> -> vector<16xf32>
        %parallel_loop3A_433 = arith.constant 5.000000e-01 : f32
        %parallel_loop3A_434 = vector.broadcast %parallel_loop3A_433 : f32 to vector<16xf32>
        %parallel_loop3A_435 = arith.mulf %parallel_loop3A_398, %parallel_loop3A_434 : vector<16xf32>
        %parallel_loop3A_436 = arith.constant 1.500000e+00 : f32
        %parallel_loop3A_437 = vector.broadcast %parallel_loop3A_436 : f32 to vector<16xf32>
        %parallel_loop3A_438 = arith.mulf %parallel_loop3A_435, %parallel_loop3A_432 : vector<16xf32>
        %parallel_loop3A_439 = arith.mulf %parallel_loop3A_438, %parallel_loop3A_432 : vector<16xf32>
        %parallel_loop3A_440 = arith.subf %parallel_loop3A_437, %parallel_loop3A_439 : vector<16xf32>
        %parallel_loop3A_441 = arith.mulf %parallel_loop3A_432, %parallel_loop3A_440 : vector<16xf32>
        %parallel_loop3A_442 = arith.mulf %parallel_loop3A_435, %parallel_loop3A_441 : vector<16xf32>
        %parallel_loop3A_443 = arith.mulf %parallel_loop3A_442, %parallel_loop3A_441 : vector<16xf32>
        %parallel_loop3A_444 = arith.subf %parallel_loop3A_437, %parallel_loop3A_443 : vector<16xf32>
        %parallel_loop3A_445 = arith.mulf %parallel_loop3A_441, %parallel_loop3A_444 : vector<16xf32>
        %parallel_loop3A_446 = arith.mulf %parallel_loop3A_435, %parallel_loop3A_445 : vector<16xf32>
        %parallel_loop3A_447 = arith.mulf %parallel_loop3A_446, %parallel_loop3A_445 : vector<16xf32>
        %parallel_loop3A_448 = arith.subf %parallel_loop3A_437, %parallel_loop3A_447 : vector<16xf32>
        %parallel_loop3A_449 = arith.mulf %parallel_loop3A_445, %parallel_loop3A_448 : vector<16xf32>
        %parallel_loop3A_450 = arith.mulf %parallel_loop3A_398, %parallel_loop3A_449 : vector<16xf32>
        %parallel_loop3A_451 = arith.constant 128 : i32
        %parallel_loop3A_452 = arith.muli %while3A_118, %parallel_loop3A_451 : i32
        %parallel_loop3A_453 = arith.constant 16 : i32
        %parallel_loop3A_454 = arith.muli %parallel_loop3A_152, %parallel_loop3A_453 : i32
        %parallel_loop3A_455 = arith.addi %parallel_loop3A_452, %parallel_loop3A_454 : i32
        %parallel_loop3A_456 = arith.index_cast %parallel_loop3A_455 : i32 to index
        %parallel_loop3A_457 = tpu.vector_load %arg17[%parallel_loop3A_456] {strides = array<i32>} : memref<3344xf32, #tpu.memory_space<vmem>>, vector<16xf32>,
        %parallel_loop3A_458 = arith.subf %parallel_loop3A_424, %parallel_loop3A_450 : vector<16xf32>
        %parallel_loop3A_459 = arith.addf %parallel_loop3A_458, %parallel_loop3A_457 : vector<16xf32>
        %parallel_loop3A_460 = arith.maximumf %parallel_loop3A_459, %broadcast_in_dim3A_1 : vector<16xf32>
        %parallel_loop3A_461 = arith.addf %parallel_loop3A_153, %parallel_loop3A_460 : vector<16xf32>
        scf.yield %parallel_loop3A_461 : vector<16xf32>
      } {sc.loop_unroll_factor = 2 : i64, sc.parallel_access}
      scf.yield %parallel_loop3A_151 : vector<16xf32>
    }
    %while3A_103 = arith.constant 1 : i32
    %while3A_104 = scf.for %while3A_118 = %while3A_100 to %while3A_96 step %while3A_103 iter_args(%while3A_119 = %while3A_102) -> (vector<16xf32>)  : i32 {
      %rem3A = arith.constant 2 : i32
      %rem3A_120 = arith.remsi %while3A_118, %rem3A : i32
      %eq3A = arith.constant 0 : i32
      %eq3A_121 = arith.cmpi eq, %rem3A_120, %eq3A : i32
      %add3A_122 = arith.constant 1 : i32
      %add3A_123 = arith.addi %while3A_118, %add3A_122 : i32
      %lt3A = arith.cmpi slt, %add3A_123, %div3A_92 : i32
      %and3A = arith.andi %eq3A_121, %lt3A : i1
      %convert_element_type3A_124 = arith.extui %and3A : i1 to i32
      %cond3A_125 = arith.constant 0 : i32
      %cond3A_126 = arith.cmpi ne, %convert_element_type3A_124, %cond3A_125 : i32
      scf.if %cond3A_126 {
        %add3A_152 = arith.constant 1 : i32
        %add3A_153 = arith.addi %while3A_118, %add3A_152 : i32
        %mul3A_154 = arith.constant 128 : i32
        %mul3A_155 = arith.muli %add3A_153, %mul3A_154 : i32
        %dma_start3A = arith.constant 128 : i32
        %dma_start3A_156 = arith.constant 0 : i32
        %dma_start3A_157 = tpu.memref_slice %arg18[%dma_start3A, %dma_start3A_156] : memref<256x16xf32, #tpu.memory_space<vmem>> -> memref<128x16xf32, #tpu.memory_space<vmem>>
        %dma_start3A_158 = tpu.memref_slice %arg14[%mul3A_155] : memref<3344xi32, #tpu.memory_space<vmem>> -> memref<128xi32, #tpu.memory_space<vmem>>
        %dma_start3A_159 = arith.constant 0 : i32
        %dma_start3A_160 = arith.constant 0 : i32
        %dma_start3A_161 = tpu.memref_slice %arg2[%dma_start3A_159, %dma_start3A_160] : memref<16384x16xf32, #tpu.memory_space<hbm>> -> memref<16384x16xf32, #tpu.memory_space<hbm>>
        tpu.enqueue_indirect_dma source(%dma_start3A_161 : memref<16384x16xf32, #tpu.memory_space<hbm>>) target(%dma_start3A_157 : memref<128x16xf32, #tpu.memory_space<vmem>>) offsets(%dma_start3A_158 : memref<128xi32, #tpu.memory_space<vmem>>) semaphore(%arg23 : memref<!tpu.dma_semaphore, #tpu.memory_space<semaphore_mem>>)
        %dma_start3A_162 = arith.constant 128 : i32
        %dma_start3A_163 = arith.constant 0 : i32
        %dma_start3A_164 = tpu.memref_slice %arg19[%dma_start3A_162, %dma_start3A_163] : memref<256x16xf32, #tpu.memory_space<vmem>> -> memref<128x16xf32, #tpu.memory_space<vmem>>
        %dma_start3A_165 = tpu.memref_slice %arg15[%mul3A_155] : memref<3344xi32, #tpu.memory_space<vmem>> -> memref<128xi32, #tpu.memory_space<vmem>>
        %dma_start3A_166 = arith.constant 0 : i32
        %dma_start3A_167 = arith.constant 0 : i32
        %dma_start3A_168 = tpu.memref_slice %arg2[%dma_start3A_166, %dma_start3A_167] : memref<16384x16xf32, #tpu.memory_space<hbm>> -> memref<16384x16xf32, #tpu.memory_space<hbm>>
        tpu.enqueue_indirect_dma source(%dma_start3A_168 : memref<16384x16xf32, #tpu.memory_space<hbm>>) target(%dma_start3A_164 : memref<128x16xf32, #tpu.memory_space<vmem>>) offsets(%dma_start3A_165 : memref<128xi32, #tpu.memory_space<vmem>>) semaphore(%arg23 : memref<!tpu.dma_semaphore, #tpu.memory_space<semaphore_mem>>)
        %dma_start3A_169 = arith.constant 128 : i32
        %dma_start3A_170 = arith.constant 0 : i32
        %dma_start3A_171 = tpu.memref_slice %arg20[%dma_start3A_169, %dma_start3A_170] : memref<256x16xf32, #tpu.memory_space<vmem>> -> memref<128x16xf32, #tpu.memory_space<vmem>>
        %dma_start3A_172 = tpu.memref_slice %arg16[%mul3A_155] : memref<3344xi32, #tpu.memory_space<vmem>> -> memref<128xi32, #tpu.memory_space<vmem>>
        %dma_start3A_173 = arith.constant 0 : i32
        %dma_start3A_174 = arith.constant 0 : i32
        %dma_start3A_175 = tpu.memref_slice %arg2[%dma_start3A_173, %dma_start3A_174] : memref<16384x16xf32, #tpu.memory_space<hbm>> -> memref<16384x16xf32, #tpu.memory_space<hbm>>
        tpu.enqueue_indirect_dma source(%dma_start3A_175 : memref<16384x16xf32, #tpu.memory_space<hbm>>) target(%dma_start3A_171 : memref<128x16xf32, #tpu.memory_space<vmem>>) offsets(%dma_start3A_172 : memref<128xi32, #tpu.memory_space<vmem>>) semaphore(%arg23 : memref<!tpu.dma_semaphore, #tpu.memory_space<semaphore_mem>>)
      } else {
      }
      %eq3A_127 = arith.constant 1 : i32
      %eq3A_128 = arith.cmpi eq, %rem3A_120, %eq3A_127 : i32
      %add3A_129 = arith.constant 1 : i32
      %add3A_130 = arith.addi %while3A_118, %add3A_129 : i32
      %lt3A_131 = arith.cmpi slt, %add3A_130, %div3A_92 : i32
      %and3A_132 = arith.andi %eq3A_128, %lt3A_131 : i1
      %convert_element_type3A_133 = arith.extui %and3A_132 : i1 to i32
      %cond3A_134 = arith.constant 0 : i32
      %cond3A_135 = arith.cmpi ne, %convert_element_type3A_133, %cond3A_134 : i32
      scf.if %cond3A_135 {
        %add3A_152 = arith.constant 1 : i32
        %add3A_153 = arith.addi %while3A_118, %add3A_152 : i32
        %mul3A_154 = arith.constant 128 : i32
        %mul3A_155 = arith.muli %add3A_153, %mul3A_154 : i32
        %dma_start3A = arith.constant 0 : i32
        %dma_start3A_156 = arith.constant 0 : i32
        %dma_start3A_157 = tpu.memref_slice %arg18[%dma_start3A, %dma_start3A_156] : memref<256x16xf32, #tpu.memory_space<vmem>> -> memref<128x16xf32, #tpu.memory_space<vmem>>
        %dma_start3A_158 = tpu.memref_slice %arg14[%mul3A_155] : memref<3344xi32, #tpu.memory_space<vmem>> -> memref<128xi32, #tpu.memory_space<vmem>>
        %dma_start3A_159 = arith.constant 0 : i32
        %dma_start3A_160 = arith.constant 0 : i32
        %dma_start3A_161 = tpu.memref_slice %arg2[%dma_start3A_159, %dma_start3A_160] : memref<16384x16xf32, #tpu.memory_space<hbm>> -> memref<16384x16xf32, #tpu.memory_space<hbm>>
        tpu.enqueue_indirect_dma source(%dma_start3A_161 : memref<16384x16xf32, #tpu.memory_space<hbm>>) target(%dma_start3A_157 : memref<128x16xf32, #tpu.memory_space<vmem>>) offsets(%dma_start3A_158 : memref<128xi32, #tpu.memory_space<vmem>>) semaphore(%arg22 : memref<!tpu.dma_semaphore, #tpu.memory_space<semaphore_mem>>)
        %dma_start3A_162 = arith.constant 0 : i32
        %dma_start3A_163 = arith.constant 0 : i32
        %dma_start3A_164 = tpu.memref_slice %arg19[%dma_start3A_162, %dma_start3A_163] : memref<256x16xf32, #tpu.memory_space<vmem>> -> memref<128x16xf32, #tpu.memory_space<vmem>>
        %dma_start3A_165 = tpu.memref_slice %arg15[%mul3A_155] : memref<3344xi32, #tpu.memory_space<vmem>> -> memref<128xi32, #tpu.memory_space<vmem>>
        %dma_start3A_166 = arith.constant 0 : i32
        %dma_start3A_167 = arith.constant 0 : i32
        %dma_start3A_168 = tpu.memref_slice %arg2[%dma_start3A_166, %dma_start3A_167] : memref<16384x16xf32, #tpu.memory_space<hbm>> -> memref<16384x16xf32, #tpu.memory_space<hbm>>
        tpu.enqueue_indirect_dma source(%dma_start3A_168 : memref<16384x16xf32, #tpu.memory_space<hbm>>) target(%dma_start3A_164 : memref<128x16xf32, #tpu.memory_space<vmem>>) offsets(%dma_start3A_165 : memref<128xi32, #tpu.memory_space<vmem>>) semaphore(%arg22 : memref<!tpu.dma_semaphore, #tpu.memory_space<semaphore_mem>>)
        %dma_start3A_169 = arith.constant 0 : i32
        %dma_start3A_170 = arith.constant 0 : i32
        %dma_start3A_171 = tpu.memref_slice %arg20[%dma_start3A_169, %dma_start3A_170] : memref<256x16xf32, #tpu.memory_space<vmem>> -> memref<128x16xf32, #tpu.memory_space<vmem>>
        %dma_start3A_172 = tpu.memref_slice %arg16[%mul3A_155] : memref<3344xi32, #tpu.memory_space<vmem>> -> memref<128xi32, #tpu.memory_space<vmem>>
        %dma_start3A_173 = arith.constant 0 : i32
        %dma_start3A_174 = arith.constant 0 : i32
        %dma_start3A_175 = tpu.memref_slice %arg2[%dma_start3A_173, %dma_start3A_174] : memref<16384x16xf32, #tpu.memory_space<hbm>> -> memref<16384x16xf32, #tpu.memory_space<hbm>>
        tpu.enqueue_indirect_dma source(%dma_start3A_175 : memref<16384x16xf32, #tpu.memory_space<hbm>>) target(%dma_start3A_171 : memref<128x16xf32, #tpu.memory_space<vmem>>) offsets(%dma_start3A_172 : memref<128xi32, #tpu.memory_space<vmem>>) semaphore(%arg22 : memref<!tpu.dma_semaphore, #tpu.memory_space<semaphore_mem>>)
      } else {
      }
      %eq3A_136 = arith.constant 0 : i32
      %eq3A_137 = arith.cmpi eq, %rem3A_120, %eq3A_136 : i32
      %convert_element_type3A_138 = arith.extui %eq3A_137 : i1 to i32
      %cond3A_139 = arith.constant 0 : i32
      %cond3A_140 = arith.cmpi ne, %convert_element_type3A_138, %cond3A_139 : i32
      scf.if %cond3A_140 {
        %mul3A_152 = arith.constant 128 : i32
        %mul3A_153 = arith.muli %while3A_118, %mul3A_152 : i32
        %dma_wait3A = arith.constant 0 : i32
        %dma_wait3A_154 = arith.constant 0 : i32
        %dma_wait3A_155 = tpu.memref_slice %arg18[%dma_wait3A, %dma_wait3A_154] : memref<256x16xf32, #tpu.memory_space<vmem>> -> memref<128x16xf32, #tpu.memory_space<vmem>>
        %dma_wait3A_156 = tpu.memref_slice %arg14[%mul3A_153] : memref<3344xi32, #tpu.memory_space<vmem>> -> memref<128xi32, #tpu.memory_space<vmem>>
        %dma_wait3A_157 = arith.constant 0 : i32
        %dma_wait3A_158 = arith.constant 0 : i32
        %dma_wait3A_159 = tpu.memref_slice %arg2[%dma_wait3A_157, %dma_wait3A_158] : memref<16384x16xf32, #tpu.memory_space<hbm>> -> memref<16384x16xf32, #tpu.memory_space<hbm>>
        tpu.wait_indirect_dma semaphore(%arg22 : memref<!tpu.dma_semaphore, #tpu.memory_space<semaphore_mem>>) src(%dma_wait3A_159 : memref<16384x16xf32, #tpu.memory_space<hbm>>) dst(%dma_wait3A_155 : memref<128x16xf32, #tpu.memory_space<vmem>>)
        %dma_wait3A_160 = arith.constant 0 : i32
        %dma_wait3A_161 = arith.constant 0 : i32
        %dma_wait3A_162 = tpu.memref_slice %arg19[%dma_wait3A_160, %dma_wait3A_161] : memref<256x16xf32, #tpu.memory_space<vmem>> -> memref<128x16xf32, #tpu.memory_space<vmem>>
        %dma_wait3A_163 = tpu.memref_slice %arg15[%mul3A_153] : memref<3344xi32, #tpu.memory_space<vmem>> -> memref<128xi32, #tpu.memory_space<vmem>>
        %dma_wait3A_164 = arith.constant 0 : i32
        %dma_wait3A_165 = arith.constant 0 : i32
        %dma_wait3A_166 = tpu.memref_slice %arg2[%dma_wait3A_164, %dma_wait3A_165] : memref<16384x16xf32, #tpu.memory_space<hbm>> -> memref<16384x16xf32, #tpu.memory_space<hbm>>
        tpu.wait_indirect_dma semaphore(%arg22 : memref<!tpu.dma_semaphore, #tpu.memory_space<semaphore_mem>>) src(%dma_wait3A_166 : memref<16384x16xf32, #tpu.memory_space<hbm>>) dst(%dma_wait3A_162 : memref<128x16xf32, #tpu.memory_space<vmem>>)
        %dma_wait3A_167 = arith.constant 0 : i32
        %dma_wait3A_168 = arith.constant 0 : i32
        %dma_wait3A_169 = tpu.memref_slice %arg20[%dma_wait3A_167, %dma_wait3A_168] : memref<256x16xf32, #tpu.memory_space<vmem>> -> memref<128x16xf32, #tpu.memory_space<vmem>>
        %dma_wait3A_170 = tpu.memref_slice %arg16[%mul3A_153] : memref<3344xi32, #tpu.memory_space<vmem>> -> memref<128xi32, #tpu.memory_space<vmem>>
        %dma_wait3A_171 = arith.constant 0 : i32
        %dma_wait3A_172 = arith.constant 0 : i32
        %dma_wait3A_173 = tpu.memref_slice %arg2[%dma_wait3A_171, %dma_wait3A_172] : memref<16384x16xf32, #tpu.memory_space<hbm>> -> memref<16384x16xf32, #tpu.memory_space<hbm>>
        tpu.wait_indirect_dma semaphore(%arg22 : memref<!tpu.dma_semaphore, #tpu.memory_space<semaphore_mem>>) src(%dma_wait3A_173 : memref<16384x16xf32, #tpu.memory_space<hbm>>) dst(%dma_wait3A_169 : memref<128x16xf32, #tpu.memory_space<vmem>>)
      } else {
      }
      %eq3A_141 = arith.constant 1 : i32
      %eq3A_142 = arith.cmpi eq, %rem3A_120, %eq3A_141 : i32
      %convert_element_type3A_143 = arith.extui %eq3A_142 : i1 to i32
      %cond3A_144 = arith.constant 0 : i32
      %cond3A_145 = arith.cmpi ne, %convert_element_type3A_143, %cond3A_144 : i32
      scf.if %cond3A_145 {
        %mul3A_152 = arith.constant 128 : i32
        %mul3A_153 = arith.muli %while3A_118, %mul3A_152 : i32
        %dma_wait3A = arith.constant 128 : i32
        %dma_wait3A_154 = arith.constant 0 : i32
        %dma_wait3A_155 = tpu.memref_slice %arg18[%dma_wait3A, %dma_wait3A_154] : memref<256x16xf32, #tpu.memory_space<vmem>> -> memref<128x16xf32, #tpu.memory_space<vmem>>
        %dma_wait3A_156 = tpu.memref_slice %arg14[%mul3A_153] : memref<3344xi32, #tpu.memory_space<vmem>> -> memref<128xi32, #tpu.memory_space<vmem>>
        %dma_wait3A_157 = arith.constant 0 : i32
        %dma_wait3A_158 = arith.constant 0 : i32
        %dma_wait3A_159 = tpu.memref_slice %arg2[%dma_wait3A_157, %dma_wait3A_158] : memref<16384x16xf32, #tpu.memory_space<hbm>> -> memref<16384x16xf32, #tpu.memory_space<hbm>>
        tpu.wait_indirect_dma semaphore(%arg23 : memref<!tpu.dma_semaphore, #tpu.memory_space<semaphore_mem>>) src(%dma_wait3A_159 : memref<16384x16xf32, #tpu.memory_space<hbm>>) dst(%dma_wait3A_155 : memref<128x16xf32, #tpu.memory_space<vmem>>)
        %dma_wait3A_160 = arith.constant 128 : i32
        %dma_wait3A_161 = arith.constant 0 : i32
        %dma_wait3A_162 = tpu.memref_slice %arg19[%dma_wait3A_160, %dma_wait3A_161] : memref<256x16xf32, #tpu.memory_space<vmem>> -> memref<128x16xf32, #tpu.memory_space<vmem>>
        %dma_wait3A_163 = tpu.memref_slice %arg15[%mul3A_153] : memref<3344xi32, #tpu.memory_space<vmem>> -> memref<128xi32, #tpu.memory_space<vmem>>
        %dma_wait3A_164 = arith.constant 0 : i32
        %dma_wait3A_165 = arith.constant 0 : i32
        %dma_wait3A_166 = tpu.memref_slice %arg2[%dma_wait3A_164, %dma_wait3A_165] : memref<16384x16xf32, #tpu.memory_space<hbm>> -> memref<16384x16xf32, #tpu.memory_space<hbm>>
        tpu.wait_indirect_dma semaphore(%arg23 : memref<!tpu.dma_semaphore, #tpu.memory_space<semaphore_mem>>) src(%dma_wait3A_166 : memref<16384x16xf32, #tpu.memory_space<hbm>>) dst(%dma_wait3A_162 : memref<128x16xf32, #tpu.memory_space<vmem>>)
        %dma_wait3A_167 = arith.constant 128 : i32
        %dma_wait3A_168 = arith.constant 0 : i32
        %dma_wait3A_169 = tpu.memref_slice %arg20[%dma_wait3A_167, %dma_wait3A_168] : memref<256x16xf32, #tpu.memory_space<vmem>> -> memref<128x16xf32, #tpu.memory_space<vmem>>
        %dma_wait3A_170 = tpu.memref_slice %arg16[%mul3A_153] : memref<3344xi32, #tpu.memory_space<vmem>> -> memref<128xi32, #tpu.memory_space<vmem>>
        %dma_wait3A_171 = arith.constant 0 : i32
        %dma_wait3A_172 = arith.constant 0 : i32
        %dma_wait3A_173 = tpu.memref_slice %arg2[%dma_wait3A_171, %dma_wait3A_172] : memref<16384x16xf32, #tpu.memory_space<hbm>> -> memref<16384x16xf32, #tpu.memory_space<hbm>>
        tpu.wait_indirect_dma semaphore(%arg23 : memref<!tpu.dma_semaphore, #tpu.memory_space<semaphore_mem>>) src(%dma_wait3A_173 : memref<16384x16xf32, #tpu.memory_space<hbm>>) dst(%dma_wait3A_169 : memref<128x16xf32, #tpu.memory_space<vmem>>)
      } else {
      }
      %mul3A_146 = arith.constant 128 : i32
      %mul3A_147 = arith.muli %rem3A_120, %mul3A_146 : i32
      %parallel_loop3A_148 = arith.constant 0 : i32
      %parallel_loop3A_149 = arith.constant 8 : i32
      %parallel_loop3A_150 = arith.constant 1 : i32
      %parallel_loop3A_151 = scf.for %parallel_loop3A_152 = %parallel_loop3A_148 to %parallel_loop3A_149 step %parallel_loop3A_150 iter_args(%parallel_loop3A_153 = %while3A_119) -> (vector<16xf32>)  : i32 {
        %parallel_loop3A_154 = arith.constant 16 : i32
        %parallel_loop3A_155 = arith.muli %parallel_loop3A_152, %parallel_loop3A_154 : i32
        %parallel_loop3A_156 = arith.addi %mul3A_147, %parallel_loop3A_155 : i32
        %parallel_loop3A_157 = vector.broadcast %parallel_loop3A_156 : i32 to vector<16xi32>
        %parallel_loop3A_158 = arith.addi %parallel_loop3A_157, %iota3A : vector<16xi32>
        %parallel_loop3A_159 = arith.constant 0 : i32
        %parallel_loop3A_160 = vector.broadcast %parallel_loop3A_159 : i32 to vector<16xi32>
        %parallel_loop3A_161 = arith.addi %iota3A, %parallel_loop3A_160 : vector<16xi32>
        %parallel_loop3A_162 = arith.constant 15 : i32
        %parallel_loop3A_163 = vector.broadcast %parallel_loop3A_162 : i32 to vector<16xi32>
        %parallel_loop3A_164 = arith.andi %parallel_loop3A_161, %parallel_loop3A_163 : vector<16xi32>
        %parallel_loop3A_165 = tpu.vector_load_idx %arg18[%parallel_loop3A_158, %parallel_loop3A_164] : memref<256x16xf32, #tpu.memory_space<vmem>>[vector<16xi32>, vector<16xi32>], vector<16xf32>,
        %parallel_loop3A_166 = tpu.vector_load_idx %arg19[%parallel_loop3A_158, %parallel_loop3A_164] : memref<256x16xf32, #tpu.memory_space<vmem>>[vector<16xi32>, vector<16xi32>], vector<16xf32>,
        %parallel_loop3A_167 = tpu.vector_load_idx %arg20[%parallel_loop3A_158, %parallel_loop3A_164] : memref<256x16xf32, #tpu.memory_space<vmem>>[vector<16xi32>, vector<16xi32>], vector<16xf32>,
        %parallel_loop3A_168 = arith.subf %parallel_loop3A_165, %parallel_loop3A_166 : vector<16xf32>
        %parallel_loop3A_169 = arith.mulf %parallel_loop3A_168, %parallel_loop3A_168 : vector<16xf32>
        %parallel_loop3A_170 = arith.addf %broadcast_in_dim3A_1, %parallel_loop3A_169 : vector<16xf32>
        %parallel_loop3A_171 = arith.subf %parallel_loop3A_165, %parallel_loop3A_167 : vector<16xf32>
        %parallel_loop3A_172 = arith.mulf %parallel_loop3A_171, %parallel_loop3A_171 : vector<16xf32>
        %parallel_loop3A_173 = arith.addf %broadcast_in_dim3A_1, %parallel_loop3A_172 : vector<16xf32>
        %parallel_loop3A_174 = arith.constant 1 : i32
        %parallel_loop3A_175 = vector.broadcast %parallel_loop3A_174 : i32 to vector<16xi32>
        %parallel_loop3A_176 = arith.addi %iota3A, %parallel_loop3A_175 : vector<16xi32>
        %parallel_loop3A_177 = arith.constant 15 : i32
        %parallel_loop3A_178 = vector.broadcast %parallel_loop3A_177 : i32 to vector<16xi32>
        %parallel_loop3A_179 = arith.andi %parallel_loop3A_176, %parallel_loop3A_178 : vector<16xi32>
        %parallel_loop3A_180 = tpu.vector_load_idx %arg18[%parallel_loop3A_158, %parallel_loop3A_179] : memref<256x16xf32, #tpu.memory_space<vmem>>[vector<16xi32>, vector<16xi32>], vector<16xf32>,
        %parallel_loop3A_181 = tpu.vector_load_idx %arg19[%parallel_loop3A_158, %parallel_loop3A_179] : memref<256x16xf32, #tpu.memory_space<vmem>>[vector<16xi32>, vector<16xi32>], vector<16xf32>,
        %parallel_loop3A_182 = tpu.vector_load_idx %arg20[%parallel_loop3A_158, %parallel_loop3A_179] : memref<256x16xf32, #tpu.memory_space<vmem>>[vector<16xi32>, vector<16xi32>], vector<16xf32>,
        %parallel_loop3A_183 = arith.subf %parallel_loop3A_180, %parallel_loop3A_181 : vector<16xf32>
        %parallel_loop3A_184 = arith.mulf %parallel_loop3A_183, %parallel_loop3A_183 : vector<16xf32>
        %parallel_loop3A_185 = arith.addf %parallel_loop3A_170, %parallel_loop3A_184 : vector<16xf32>
        %parallel_loop3A_186 = arith.subf %parallel_loop3A_180, %parallel_loop3A_182 : vector<16xf32>
        %parallel_loop3A_187 = arith.mulf %parallel_loop3A_186, %parallel_loop3A_186 : vector<16xf32>
        %parallel_loop3A_188 = arith.addf %parallel_loop3A_173, %parallel_loop3A_187 : vector<16xf32>
        %parallel_loop3A_189 = arith.constant 2 : i32
        %parallel_loop3A_190 = vector.broadcast %parallel_loop3A_189 : i32 to vector<16xi32>
        %parallel_loop3A_191 = arith.addi %iota3A, %parallel_loop3A_190 : vector<16xi32>
        %parallel_loop3A_192 = arith.constant 15 : i32
        %parallel_loop3A_193 = vector.broadcast %parallel_loop3A_192 : i32 to vector<16xi32>
        %parallel_loop3A_194 = arith.andi %parallel_loop3A_191, %parallel_loop3A_193 : vector<16xi32>
        %parallel_loop3A_195 = tpu.vector_load_idx %arg18[%parallel_loop3A_158, %parallel_loop3A_194] : memref<256x16xf32, #tpu.memory_space<vmem>>[vector<16xi32>, vector<16xi32>], vector<16xf32>,
        %parallel_loop3A_196 = tpu.vector_load_idx %arg19[%parallel_loop3A_158, %parallel_loop3A_194] : memref<256x16xf32, #tpu.memory_space<vmem>>[vector<16xi32>, vector<16xi32>], vector<16xf32>,
        %parallel_loop3A_197 = tpu.vector_load_idx %arg20[%parallel_loop3A_158, %parallel_loop3A_194] : memref<256x16xf32, #tpu.memory_space<vmem>>[vector<16xi32>, vector<16xi32>], vector<16xf32>,
        %parallel_loop3A_198 = arith.subf %parallel_loop3A_195, %parallel_loop3A_196 : vector<16xf32>
        %parallel_loop3A_199 = arith.mulf %parallel_loop3A_198, %parallel_loop3A_198 : vector<16xf32>
        %parallel_loop3A_200 = arith.addf %parallel_loop3A_185, %parallel_loop3A_199 : vector<16xf32>
        %parallel_loop3A_201 = arith.subf %parallel_loop3A_195, %parallel_loop3A_197 : vector<16xf32>
        %parallel_loop3A_202 = arith.mulf %parallel_loop3A_201, %parallel_loop3A_201 : vector<16xf32>
        %parallel_loop3A_203 = arith.addf %parallel_loop3A_188, %parallel_loop3A_202 : vector<16xf32>
        %parallel_loop3A_204 = arith.constant 3 : i32
        %parallel_loop3A_205 = vector.broadcast %parallel_loop3A_204 : i32 to vector<16xi32>
        %parallel_loop3A_206 = arith.addi %iota3A, %parallel_loop3A_205 : vector<16xi32>
        %parallel_loop3A_207 = arith.constant 15 : i32
        %parallel_loop3A_208 = vector.broadcast %parallel_loop3A_207 : i32 to vector<16xi32>
        %parallel_loop3A_209 = arith.andi %parallel_loop3A_206, %parallel_loop3A_208 : vector<16xi32>
        %parallel_loop3A_210 = tpu.vector_load_idx %arg18[%parallel_loop3A_158, %parallel_loop3A_209] : memref<256x16xf32, #tpu.memory_space<vmem>>[vector<16xi32>, vector<16xi32>], vector<16xf32>,
        %parallel_loop3A_211 = tpu.vector_load_idx %arg19[%parallel_loop3A_158, %parallel_loop3A_209] : memref<256x16xf32, #tpu.memory_space<vmem>>[vector<16xi32>, vector<16xi32>], vector<16xf32>,
        %parallel_loop3A_212 = tpu.vector_load_idx %arg20[%parallel_loop3A_158, %parallel_loop3A_209] : memref<256x16xf32, #tpu.memory_space<vmem>>[vector<16xi32>, vector<16xi32>], vector<16xf32>,
        %parallel_loop3A_213 = arith.subf %parallel_loop3A_210, %parallel_loop3A_211 : vector<16xf32>
        %parallel_loop3A_214 = arith.mulf %parallel_loop3A_213, %parallel_loop3A_213 : vector<16xf32>
        %parallel_loop3A_215 = arith.addf %parallel_loop3A_200, %parallel_loop3A_214 : vector<16xf32>
        %parallel_loop3A_216 = arith.subf %parallel_loop3A_210, %parallel_loop3A_212 : vector<16xf32>
        %parallel_loop3A_217 = arith.mulf %parallel_loop3A_216, %parallel_loop3A_216 : vector<16xf32>
        %parallel_loop3A_218 = arith.addf %parallel_loop3A_203, %parallel_loop3A_217 : vector<16xf32>
        %parallel_loop3A_219 = arith.constant 4 : i32
        %parallel_loop3A_220 = vector.broadcast %parallel_loop3A_219 : i32 to vector<16xi32>
        %parallel_loop3A_221 = arith.addi %iota3A, %parallel_loop3A_220 : vector<16xi32>
        %parallel_loop3A_222 = arith.constant 15 : i32
        %parallel_loop3A_223 = vector.broadcast %parallel_loop3A_222 : i32 to vector<16xi32>
        %parallel_loop3A_224 = arith.andi %parallel_loop3A_221, %parallel_loop3A_223 : vector<16xi32>
        %parallel_loop3A_225 = tpu.vector_load_idx %arg18[%parallel_loop3A_158, %parallel_loop3A_224] : memref<256x16xf32, #tpu.memory_space<vmem>>[vector<16xi32>, vector<16xi32>], vector<16xf32>,
        %parallel_loop3A_226 = tpu.vector_load_idx %arg19[%parallel_loop3A_158, %parallel_loop3A_224] : memref<256x16xf32, #tpu.memory_space<vmem>>[vector<16xi32>, vector<16xi32>], vector<16xf32>,
        %parallel_loop3A_227 = tpu.vector_load_idx %arg20[%parallel_loop3A_158, %parallel_loop3A_224] : memref<256x16xf32, #tpu.memory_space<vmem>>[vector<16xi32>, vector<16xi32>], vector<16xf32>,
        %parallel_loop3A_228 = arith.subf %parallel_loop3A_225, %parallel_loop3A_226 : vector<16xf32>
        %parallel_loop3A_229 = arith.mulf %parallel_loop3A_228, %parallel_loop3A_228 : vector<16xf32>
        %parallel_loop3A_230 = arith.addf %parallel_loop3A_215, %parallel_loop3A_229 : vector<16xf32>
        %parallel_loop3A_231 = arith.subf %parallel_loop3A_225, %parallel_loop3A_227 : vector<16xf32>
        %parallel_loop3A_232 = arith.mulf %parallel_loop3A_231, %parallel_loop3A_231 : vector<16xf32>
        %parallel_loop3A_233 = arith.addf %parallel_loop3A_218, %parallel_loop3A_232 : vector<16xf32>
        %parallel_loop3A_234 = arith.constant 5 : i32
        %parallel_loop3A_235 = vector.broadcast %parallel_loop3A_234 : i32 to vector<16xi32>
        %parallel_loop3A_236 = arith.addi %iota3A, %parallel_loop3A_235 : vector<16xi32>
        %parallel_loop3A_237 = arith.constant 15 : i32
        %parallel_loop3A_238 = vector.broadcast %parallel_loop3A_237 : i32 to vector<16xi32>
        %parallel_loop3A_239 = arith.andi %parallel_loop3A_236, %parallel_loop3A_238 : vector<16xi32>
        %parallel_loop3A_240 = tpu.vector_load_idx %arg18[%parallel_loop3A_158, %parallel_loop3A_239] : memref<256x16xf32, #tpu.memory_space<vmem>>[vector<16xi32>, vector<16xi32>], vector<16xf32>,
        %parallel_loop3A_241 = tpu.vector_load_idx %arg19[%parallel_loop3A_158, %parallel_loop3A_239] : memref<256x16xf32, #tpu.memory_space<vmem>>[vector<16xi32>, vector<16xi32>], vector<16xf32>,
        %parallel_loop3A_242 = tpu.vector_load_idx %arg20[%parallel_loop3A_158, %parallel_loop3A_239] : memref<256x16xf32, #tpu.memory_space<vmem>>[vector<16xi32>, vector<16xi32>], vector<16xf32>,
        %parallel_loop3A_243 = arith.subf %parallel_loop3A_240, %parallel_loop3A_241 : vector<16xf32>
        %parallel_loop3A_244 = arith.mulf %parallel_loop3A_243, %parallel_loop3A_243 : vector<16xf32>
        %parallel_loop3A_245 = arith.addf %parallel_loop3A_230, %parallel_loop3A_244 : vector<16xf32>
        %parallel_loop3A_246 = arith.subf %parallel_loop3A_240, %parallel_loop3A_242 : vector<16xf32>
        %parallel_loop3A_247 = arith.mulf %parallel_loop3A_246, %parallel_loop3A_246 : vector<16xf32>
        %parallel_loop3A_248 = arith.addf %parallel_loop3A_233, %parallel_loop3A_247 : vector<16xf32>
        %parallel_loop3A_249 = arith.constant 6 : i32
        %parallel_loop3A_250 = vector.broadcast %parallel_loop3A_249 : i32 to vector<16xi32>
        %parallel_loop3A_251 = arith.addi %iota3A, %parallel_loop3A_250 : vector<16xi32>
        %parallel_loop3A_252 = arith.constant 15 : i32
        %parallel_loop3A_253 = vector.broadcast %parallel_loop3A_252 : i32 to vector<16xi32>
        %parallel_loop3A_254 = arith.andi %parallel_loop3A_251, %parallel_loop3A_253 : vector<16xi32>
        %parallel_loop3A_255 = tpu.vector_load_idx %arg18[%parallel_loop3A_158, %parallel_loop3A_254] : memref<256x16xf32, #tpu.memory_space<vmem>>[vector<16xi32>, vector<16xi32>], vector<16xf32>,
        %parallel_loop3A_256 = tpu.vector_load_idx %arg19[%parallel_loop3A_158, %parallel_loop3A_254] : memref<256x16xf32, #tpu.memory_space<vmem>>[vector<16xi32>, vector<16xi32>], vector<16xf32>,
        %parallel_loop3A_257 = tpu.vector_load_idx %arg20[%parallel_loop3A_158, %parallel_loop3A_254] : memref<256x16xf32, #tpu.memory_space<vmem>>[vector<16xi32>, vector<16xi32>], vector<16xf32>,
        %parallel_loop3A_258 = arith.subf %parallel_loop3A_255, %parallel_loop3A_256 : vector<16xf32>
        %parallel_loop3A_259 = arith.mulf %parallel_loop3A_258, %parallel_loop3A_258 : vector<16xf32>
        %parallel_loop3A_260 = arith.addf %parallel_loop3A_245, %parallel_loop3A_259 : vector<16xf32>
        %parallel_loop3A_261 = arith.subf %parallel_loop3A_255, %parallel_loop3A_257 : vector<16xf32>
        %parallel_loop3A_262 = arith.mulf %parallel_loop3A_261, %parallel_loop3A_261 : vector<16xf32>
        %parallel_loop3A_263 = arith.addf %parallel_loop3A_248, %parallel_loop3A_262 : vector<16xf32>
        %parallel_loop3A_264 = arith.constant 7 : i32
        %parallel_loop3A_265 = vector.broadcast %parallel_loop3A_264 : i32 to vector<16xi32>
        %parallel_loop3A_266 = arith.addi %iota3A, %parallel_loop3A_265 : vector<16xi32>
        %parallel_loop3A_267 = arith.constant 15 : i32
        %parallel_loop3A_268 = vector.broadcast %parallel_loop3A_267 : i32 to vector<16xi32>
        %parallel_loop3A_269 = arith.andi %parallel_loop3A_266, %parallel_loop3A_268 : vector<16xi32>
        %parallel_loop3A_270 = tpu.vector_load_idx %arg18[%parallel_loop3A_158, %parallel_loop3A_269] : memref<256x16xf32, #tpu.memory_space<vmem>>[vector<16xi32>, vector<16xi32>], vector<16xf32>,
        %parallel_loop3A_271 = tpu.vector_load_idx %arg19[%parallel_loop3A_158, %parallel_loop3A_269] : memref<256x16xf32, #tpu.memory_space<vmem>>[vector<16xi32>, vector<16xi32>], vector<16xf32>,
        %parallel_loop3A_272 = tpu.vector_load_idx %arg20[%parallel_loop3A_158, %parallel_loop3A_269] : memref<256x16xf32, #tpu.memory_space<vmem>>[vector<16xi32>, vector<16xi32>], vector<16xf32>,
        %parallel_loop3A_273 = arith.subf %parallel_loop3A_270, %parallel_loop3A_271 : vector<16xf32>
        %parallel_loop3A_274 = arith.mulf %parallel_loop3A_273, %parallel_loop3A_273 : vector<16xf32>
        %parallel_loop3A_275 = arith.addf %parallel_loop3A_260, %parallel_loop3A_274 : vector<16xf32>
        %parallel_loop3A_276 = arith.subf %parallel_loop3A_270, %parallel_loop3A_272 : vector<16xf32>
        %parallel_loop3A_277 = arith.mulf %parallel_loop3A_276, %parallel_loop3A_276 : vector<16xf32>
        %parallel_loop3A_278 = arith.addf %parallel_loop3A_263, %parallel_loop3A_277 : vector<16xf32>
        %parallel_loop3A_279 = arith.constant 8 : i32
        %parallel_loop3A_280 = vector.broadcast %parallel_loop3A_279 : i32 to vector<16xi32>
        %parallel_loop3A_281 = arith.addi %iota3A, %parallel_loop3A_280 : vector<16xi32>
        %parallel_loop3A_282 = arith.constant 15 : i32
        %parallel_loop3A_283 = vector.broadcast %parallel_loop3A_282 : i32 to vector<16xi32>
        %parallel_loop3A_284 = arith.andi %parallel_loop3A_281, %parallel_loop3A_283 : vector<16xi32>
        %parallel_loop3A_285 = tpu.vector_load_idx %arg18[%parallel_loop3A_158, %parallel_loop3A_284] : memref<256x16xf32, #tpu.memory_space<vmem>>[vector<16xi32>, vector<16xi32>], vector<16xf32>,
        %parallel_loop3A_286 = tpu.vector_load_idx %arg19[%parallel_loop3A_158, %parallel_loop3A_284] : memref<256x16xf32, #tpu.memory_space<vmem>>[vector<16xi32>, vector<16xi32>], vector<16xf32>,
        %parallel_loop3A_287 = tpu.vector_load_idx %arg20[%parallel_loop3A_158, %parallel_loop3A_284] : memref<256x16xf32, #tpu.memory_space<vmem>>[vector<16xi32>, vector<16xi32>], vector<16xf32>,
        %parallel_loop3A_288 = arith.subf %parallel_loop3A_285, %parallel_loop3A_286 : vector<16xf32>
        %parallel_loop3A_289 = arith.mulf %parallel_loop3A_288, %parallel_loop3A_288 : vector<16xf32>
        %parallel_loop3A_290 = arith.addf %parallel_loop3A_275, %parallel_loop3A_289 : vector<16xf32>
        %parallel_loop3A_291 = arith.subf %parallel_loop3A_285, %parallel_loop3A_287 : vector<16xf32>
        %parallel_loop3A_292 = arith.mulf %parallel_loop3A_291, %parallel_loop3A_291 : vector<16xf32>
        %parallel_loop3A_293 = arith.addf %parallel_loop3A_278, %parallel_loop3A_292 : vector<16xf32>
        %parallel_loop3A_294 = arith.constant 9 : i32
        %parallel_loop3A_295 = vector.broadcast %parallel_loop3A_294 : i32 to vector<16xi32>
        %parallel_loop3A_296 = arith.addi %iota3A, %parallel_loop3A_295 : vector<16xi32>
        %parallel_loop3A_297 = arith.constant 15 : i32
        %parallel_loop3A_298 = vector.broadcast %parallel_loop3A_297 : i32 to vector<16xi32>
        %parallel_loop3A_299 = arith.andi %parallel_loop3A_296, %parallel_loop3A_298 : vector<16xi32>
        %parallel_loop3A_300 = tpu.vector_load_idx %arg18[%parallel_loop3A_158, %parallel_loop3A_299] : memref<256x16xf32, #tpu.memory_space<vmem>>[vector<16xi32>, vector<16xi32>], vector<16xf32>,
        %parallel_loop3A_301 = tpu.vector_load_idx %arg19[%parallel_loop3A_158, %parallel_loop3A_299] : memref<256x16xf32, #tpu.memory_space<vmem>>[vector<16xi32>, vector<16xi32>], vector<16xf32>,
        %parallel_loop3A_302 = tpu.vector_load_idx %arg20[%parallel_loop3A_158, %parallel_loop3A_299] : memref<256x16xf32, #tpu.memory_space<vmem>>[vector<16xi32>, vector<16xi32>], vector<16xf32>,
        %parallel_loop3A_303 = arith.subf %parallel_loop3A_300, %parallel_loop3A_301 : vector<16xf32>
        %parallel_loop3A_304 = arith.mulf %parallel_loop3A_303, %parallel_loop3A_303 : vector<16xf32>
        %parallel_loop3A_305 = arith.addf %parallel_loop3A_290, %parallel_loop3A_304 : vector<16xf32>
        %parallel_loop3A_306 = arith.subf %parallel_loop3A_300, %parallel_loop3A_302 : vector<16xf32>
        %parallel_loop3A_307 = arith.mulf %parallel_loop3A_306, %parallel_loop3A_306 : vector<16xf32>
        %parallel_loop3A_308 = arith.addf %parallel_loop3A_293, %parallel_loop3A_307 : vector<16xf32>
        %parallel_loop3A_309 = arith.constant 10 : i32
        %parallel_loop3A_310 = vector.broadcast %parallel_loop3A_309 : i32 to vector<16xi32>
        %parallel_loop3A_311 = arith.addi %iota3A, %parallel_loop3A_310 : vector<16xi32>
        %parallel_loop3A_312 = arith.constant 15 : i32
        %parallel_loop3A_313 = vector.broadcast %parallel_loop3A_312 : i32 to vector<16xi32>
        %parallel_loop3A_314 = arith.andi %parallel_loop3A_311, %parallel_loop3A_313 : vector<16xi32>
        %parallel_loop3A_315 = tpu.vector_load_idx %arg18[%parallel_loop3A_158, %parallel_loop3A_314] : memref<256x16xf32, #tpu.memory_space<vmem>>[vector<16xi32>, vector<16xi32>], vector<16xf32>,
        %parallel_loop3A_316 = tpu.vector_load_idx %arg19[%parallel_loop3A_158, %parallel_loop3A_314] : memref<256x16xf32, #tpu.memory_space<vmem>>[vector<16xi32>, vector<16xi32>], vector<16xf32>,
        %parallel_loop3A_317 = tpu.vector_load_idx %arg20[%parallel_loop3A_158, %parallel_loop3A_314] : memref<256x16xf32, #tpu.memory_space<vmem>>[vector<16xi32>, vector<16xi32>], vector<16xf32>,
        %parallel_loop3A_318 = arith.subf %parallel_loop3A_315, %parallel_loop3A_316 : vector<16xf32>
        %parallel_loop3A_319 = arith.mulf %parallel_loop3A_318, %parallel_loop3A_318 : vector<16xf32>
        %parallel_loop3A_320 = arith.addf %parallel_loop3A_305, %parallel_loop3A_319 : vector<16xf32>
        %parallel_loop3A_321 = arith.subf %parallel_loop3A_315, %parallel_loop3A_317 : vector<16xf32>
        %parallel_loop3A_322 = arith.mulf %parallel_loop3A_321, %parallel_loop3A_321 : vector<16xf32>
        %parallel_loop3A_323 = arith.addf %parallel_loop3A_308, %parallel_loop3A_322 : vector<16xf32>
        %parallel_loop3A_324 = arith.constant 11 : i32
        %parallel_loop3A_325 = vector.broadcast %parallel_loop3A_324 : i32 to vector<16xi32>
        %parallel_loop3A_326 = arith.addi %iota3A, %parallel_loop3A_325 : vector<16xi32>
        %parallel_loop3A_327 = arith.constant 15 : i32
        %parallel_loop3A_328 = vector.broadcast %parallel_loop3A_327 : i32 to vector<16xi32>
        %parallel_loop3A_329 = arith.andi %parallel_loop3A_326, %parallel_loop3A_328 : vector<16xi32>
        %parallel_loop3A_330 = tpu.vector_load_idx %arg18[%parallel_loop3A_158, %parallel_loop3A_329] : memref<256x16xf32, #tpu.memory_space<vmem>>[vector<16xi32>, vector<16xi32>], vector<16xf32>,
        %parallel_loop3A_331 = tpu.vector_load_idx %arg19[%parallel_loop3A_158, %parallel_loop3A_329] : memref<256x16xf32, #tpu.memory_space<vmem>>[vector<16xi32>, vector<16xi32>], vector<16xf32>,
        %parallel_loop3A_332 = tpu.vector_load_idx %arg20[%parallel_loop3A_158, %parallel_loop3A_329] : memref<256x16xf32, #tpu.memory_space<vmem>>[vector<16xi32>, vector<16xi32>], vector<16xf32>,
        %parallel_loop3A_333 = arith.subf %parallel_loop3A_330, %parallel_loop3A_331 : vector<16xf32>
        %parallel_loop3A_334 = arith.mulf %parallel_loop3A_333, %parallel_loop3A_333 : vector<16xf32>
        %parallel_loop3A_335 = arith.addf %parallel_loop3A_320, %parallel_loop3A_334 : vector<16xf32>
        %parallel_loop3A_336 = arith.subf %parallel_loop3A_330, %parallel_loop3A_332 : vector<16xf32>
        %parallel_loop3A_337 = arith.mulf %parallel_loop3A_336, %parallel_loop3A_336 : vector<16xf32>
        %parallel_loop3A_338 = arith.addf %parallel_loop3A_323, %parallel_loop3A_337 : vector<16xf32>
        %parallel_loop3A_339 = arith.constant 12 : i32
        %parallel_loop3A_340 = vector.broadcast %parallel_loop3A_339 : i32 to vector<16xi32>
        %parallel_loop3A_341 = arith.addi %iota3A, %parallel_loop3A_340 : vector<16xi32>
        %parallel_loop3A_342 = arith.constant 15 : i32
        %parallel_loop3A_343 = vector.broadcast %parallel_loop3A_342 : i32 to vector<16xi32>
        %parallel_loop3A_344 = arith.andi %parallel_loop3A_341, %parallel_loop3A_343 : vector<16xi32>
        %parallel_loop3A_345 = tpu.vector_load_idx %arg18[%parallel_loop3A_158, %parallel_loop3A_344] : memref<256x16xf32, #tpu.memory_space<vmem>>[vector<16xi32>, vector<16xi32>], vector<16xf32>,
        %parallel_loop3A_346 = tpu.vector_load_idx %arg19[%parallel_loop3A_158, %parallel_loop3A_344] : memref<256x16xf32, #tpu.memory_space<vmem>>[vector<16xi32>, vector<16xi32>], vector<16xf32>,
        %parallel_loop3A_347 = tpu.vector_load_idx %arg20[%parallel_loop3A_158, %parallel_loop3A_344] : memref<256x16xf32, #tpu.memory_space<vmem>>[vector<16xi32>, vector<16xi32>], vector<16xf32>,
        %parallel_loop3A_348 = arith.subf %parallel_loop3A_345, %parallel_loop3A_346 : vector<16xf32>
        %parallel_loop3A_349 = arith.mulf %parallel_loop3A_348, %parallel_loop3A_348 : vector<16xf32>
        %parallel_loop3A_350 = arith.addf %parallel_loop3A_335, %parallel_loop3A_349 : vector<16xf32>
        %parallel_loop3A_351 = arith.subf %parallel_loop3A_345, %parallel_loop3A_347 : vector<16xf32>
        %parallel_loop3A_352 = arith.mulf %parallel_loop3A_351, %parallel_loop3A_351 : vector<16xf32>
        %parallel_loop3A_353 = arith.addf %parallel_loop3A_338, %parallel_loop3A_352 : vector<16xf32>
        %parallel_loop3A_354 = arith.constant 13 : i32
        %parallel_loop3A_355 = vector.broadcast %parallel_loop3A_354 : i32 to vector<16xi32>
        %parallel_loop3A_356 = arith.addi %iota3A, %parallel_loop3A_355 : vector<16xi32>
        %parallel_loop3A_357 = arith.constant 15 : i32
        %parallel_loop3A_358 = vector.broadcast %parallel_loop3A_357 : i32 to vector<16xi32>
        %parallel_loop3A_359 = arith.andi %parallel_loop3A_356, %parallel_loop3A_358 : vector<16xi32>
        %parallel_loop3A_360 = tpu.vector_load_idx %arg18[%parallel_loop3A_158, %parallel_loop3A_359] : memref<256x16xf32, #tpu.memory_space<vmem>>[vector<16xi32>, vector<16xi32>], vector<16xf32>,
        %parallel_loop3A_361 = tpu.vector_load_idx %arg19[%parallel_loop3A_158, %parallel_loop3A_359] : memref<256x16xf32, #tpu.memory_space<vmem>>[vector<16xi32>, vector<16xi32>], vector<16xf32>,
        %parallel_loop3A_362 = tpu.vector_load_idx %arg20[%parallel_loop3A_158, %parallel_loop3A_359] : memref<256x16xf32, #tpu.memory_space<vmem>>[vector<16xi32>, vector<16xi32>], vector<16xf32>,
        %parallel_loop3A_363 = arith.subf %parallel_loop3A_360, %parallel_loop3A_361 : vector<16xf32>
        %parallel_loop3A_364 = arith.mulf %parallel_loop3A_363, %parallel_loop3A_363 : vector<16xf32>
        %parallel_loop3A_365 = arith.addf %parallel_loop3A_350, %parallel_loop3A_364 : vector<16xf32>
        %parallel_loop3A_366 = arith.subf %parallel_loop3A_360, %parallel_loop3A_362 : vector<16xf32>
        %parallel_loop3A_367 = arith.mulf %parallel_loop3A_366, %parallel_loop3A_366 : vector<16xf32>
        %parallel_loop3A_368 = arith.addf %parallel_loop3A_353, %parallel_loop3A_367 : vector<16xf32>
        %parallel_loop3A_369 = arith.constant 14 : i32
        %parallel_loop3A_370 = vector.broadcast %parallel_loop3A_369 : i32 to vector<16xi32>
        %parallel_loop3A_371 = arith.addi %iota3A, %parallel_loop3A_370 : vector<16xi32>
        %parallel_loop3A_372 = arith.constant 15 : i32
        %parallel_loop3A_373 = vector.broadcast %parallel_loop3A_372 : i32 to vector<16xi32>
        %parallel_loop3A_374 = arith.andi %parallel_loop3A_371, %parallel_loop3A_373 : vector<16xi32>
        %parallel_loop3A_375 = tpu.vector_load_idx %arg18[%parallel_loop3A_158, %parallel_loop3A_374] : memref<256x16xf32, #tpu.memory_space<vmem>>[vector<16xi32>, vector<16xi32>], vector<16xf32>,
        %parallel_loop3A_376 = tpu.vector_load_idx %arg19[%parallel_loop3A_158, %parallel_loop3A_374] : memref<256x16xf32, #tpu.memory_space<vmem>>[vector<16xi32>, vector<16xi32>], vector<16xf32>,
        %parallel_loop3A_377 = tpu.vector_load_idx %arg20[%parallel_loop3A_158, %parallel_loop3A_374] : memref<256x16xf32, #tpu.memory_space<vmem>>[vector<16xi32>, vector<16xi32>], vector<16xf32>,
        %parallel_loop3A_378 = arith.subf %parallel_loop3A_375, %parallel_loop3A_376 : vector<16xf32>
        %parallel_loop3A_379 = arith.mulf %parallel_loop3A_378, %parallel_loop3A_378 : vector<16xf32>
        %parallel_loop3A_380 = arith.addf %parallel_loop3A_365, %parallel_loop3A_379 : vector<16xf32>
        %parallel_loop3A_381 = arith.subf %parallel_loop3A_375, %parallel_loop3A_377 : vector<16xf32>
        %parallel_loop3A_382 = arith.mulf %parallel_loop3A_381, %parallel_loop3A_381 : vector<16xf32>
        %parallel_loop3A_383 = arith.addf %parallel_loop3A_368, %parallel_loop3A_382 : vector<16xf32>
        %parallel_loop3A_384 = arith.constant 15 : i32
        %parallel_loop3A_385 = vector.broadcast %parallel_loop3A_384 : i32 to vector<16xi32>
        %parallel_loop3A_386 = arith.addi %iota3A, %parallel_loop3A_385 : vector<16xi32>
        %parallel_loop3A_387 = arith.constant 15 : i32
        %parallel_loop3A_388 = vector.broadcast %parallel_loop3A_387 : i32 to vector<16xi32>
        %parallel_loop3A_389 = arith.andi %parallel_loop3A_386, %parallel_loop3A_388 : vector<16xi32>
        %parallel_loop3A_390 = tpu.vector_load_idx %arg18[%parallel_loop3A_158, %parallel_loop3A_389] : memref<256x16xf32, #tpu.memory_space<vmem>>[vector<16xi32>, vector<16xi32>], vector<16xf32>,
        %parallel_loop3A_391 = tpu.vector_load_idx %arg19[%parallel_loop3A_158, %parallel_loop3A_389] : memref<256x16xf32, #tpu.memory_space<vmem>>[vector<16xi32>, vector<16xi32>], vector<16xf32>,
        %parallel_loop3A_392 = tpu.vector_load_idx %arg20[%parallel_loop3A_158, %parallel_loop3A_389] : memref<256x16xf32, #tpu.memory_space<vmem>>[vector<16xi32>, vector<16xi32>], vector<16xf32>,
        %parallel_loop3A_393 = arith.subf %parallel_loop3A_390, %parallel_loop3A_391 : vector<16xf32>
        %parallel_loop3A_394 = arith.mulf %parallel_loop3A_393, %parallel_loop3A_393 : vector<16xf32>
        %parallel_loop3A_395 = arith.addf %parallel_loop3A_380, %parallel_loop3A_394 : vector<16xf32>
        %parallel_loop3A_396 = arith.subf %parallel_loop3A_390, %parallel_loop3A_392 : vector<16xf32>
        %parallel_loop3A_397 = arith.mulf %parallel_loop3A_396, %parallel_loop3A_396 : vector<16xf32>
        %parallel_loop3A_398 = arith.addf %parallel_loop3A_383, %parallel_loop3A_397 : vector<16xf32>
        %parallel_loop3A_399 = tpu.bitcast %parallel_loop3A_395 : vector<16xf32> -> vector<16xi32>
        %parallel_loop3A_400 = arith.constant 1597463007 : i32
        %parallel_loop3A_401 = vector.broadcast %parallel_loop3A_400 : i32 to vector<16xi32>
        %parallel_loop3A_402 = arith.constant 1 : i32
        %parallel_loop3A_403 = vector.broadcast %parallel_loop3A_402 : i32 to vector<16xi32>
        %parallel_loop3A_404 = arith.shrui %parallel_loop3A_399, %parallel_loop3A_403 : vector<16xi32>
        %parallel_loop3A_405 = arith.subi %parallel_loop3A_401, %parallel_loop3A_404 : vector<16xi32>
        %parallel_loop3A_406 = tpu.bitcast %parallel_loop3A_405 : vector<16xi32> -> vector<16xf32>
        %parallel_loop3A_407 = arith.constant 5.000000e-01 : f32
        %parallel_loop3A_408 = vector.broadcast %parallel_loop3A_407 : f32 to vector<16xf32>
        %parallel_loop3A_409 = arith.mulf %parallel_loop3A_395, %parallel_loop3A_408 : vector<16xf32>
        %parallel_loop3A_410 = arith.constant 1.500000e+00 : f32
        %parallel_loop3A_411 = vector.broadcast %parallel_loop3A_410 : f32 to vector<16xf32>
        %parallel_loop3A_412 = arith.mulf %parallel_loop3A_409, %parallel_loop3A_406 : vector<16xf32>
        %parallel_loop3A_413 = arith.mulf %parallel_loop3A_412, %parallel_loop3A_406 : vector<16xf32>
        %parallel_loop3A_414 = arith.subf %parallel_loop3A_411, %parallel_loop3A_413 : vector<16xf32>
        %parallel_loop3A_415 = arith.mulf %parallel_loop3A_406, %parallel_loop3A_414 : vector<16xf32>
        %parallel_loop3A_416 = arith.mulf %parallel_loop3A_409, %parallel_loop3A_415 : vector<16xf32>
        %parallel_loop3A_417 = arith.mulf %parallel_loop3A_416, %parallel_loop3A_415 : vector<16xf32>
        %parallel_loop3A_418 = arith.subf %parallel_loop3A_411, %parallel_loop3A_417 : vector<16xf32>
        %parallel_loop3A_419 = arith.mulf %parallel_loop3A_415, %parallel_loop3A_418 : vector<16xf32>
        %parallel_loop3A_420 = arith.mulf %parallel_loop3A_409, %parallel_loop3A_419 : vector<16xf32>
        %parallel_loop3A_421 = arith.mulf %parallel_loop3A_420, %parallel_loop3A_419 : vector<16xf32>
        %parallel_loop3A_422 = arith.subf %parallel_loop3A_411, %parallel_loop3A_421 : vector<16xf32>
        %parallel_loop3A_423 = arith.mulf %parallel_loop3A_419, %parallel_loop3A_422 : vector<16xf32>
        %parallel_loop3A_424 = arith.mulf %parallel_loop3A_395, %parallel_loop3A_423 : vector<16xf32>
        %parallel_loop3A_425 = tpu.bitcast %parallel_loop3A_398 : vector<16xf32> -> vector<16xi32>
        %parallel_loop3A_426 = arith.constant 1597463007 : i32
        %parallel_loop3A_427 = vector.broadcast %parallel_loop3A_426 : i32 to vector<16xi32>
        %parallel_loop3A_428 = arith.constant 1 : i32
        %parallel_loop3A_429 = vector.broadcast %parallel_loop3A_428 : i32 to vector<16xi32>
        %parallel_loop3A_430 = arith.shrui %parallel_loop3A_425, %parallel_loop3A_429 : vector<16xi32>
        %parallel_loop3A_431 = arith.subi %parallel_loop3A_427, %parallel_loop3A_430 : vector<16xi32>
        %parallel_loop3A_432 = tpu.bitcast %parallel_loop3A_431 : vector<16xi32> -> vector<16xf32>
        %parallel_loop3A_433 = arith.constant 5.000000e-01 : f32
        %parallel_loop3A_434 = vector.broadcast %parallel_loop3A_433 : f32 to vector<16xf32>
        %parallel_loop3A_435 = arith.mulf %parallel_loop3A_398, %parallel_loop3A_434 : vector<16xf32>
        %parallel_loop3A_436 = arith.constant 1.500000e+00 : f32
        %parallel_loop3A_437 = vector.broadcast %parallel_loop3A_436 : f32 to vector<16xf32>
        %parallel_loop3A_438 = arith.mulf %parallel_loop3A_435, %parallel_loop3A_432 : vector<16xf32>
        %parallel_loop3A_439 = arith.mulf %parallel_loop3A_438, %parallel_loop3A_432 : vector<16xf32>
        %parallel_loop3A_440 = arith.subf %parallel_loop3A_437, %parallel_loop3A_439 : vector<16xf32>
        %parallel_loop3A_441 = arith.mulf %parallel_loop3A_432, %parallel_loop3A_440 : vector<16xf32>
        %parallel_loop3A_442 = arith.mulf %parallel_loop3A_435, %parallel_loop3A_441 : vector<16xf32>
        %parallel_loop3A_443 = arith.mulf %parallel_loop3A_442, %parallel_loop3A_441 : vector<16xf32>
        %parallel_loop3A_444 = arith.subf %parallel_loop3A_437, %parallel_loop3A_443 : vector<16xf32>
        %parallel_loop3A_445 = arith.mulf %parallel_loop3A_441, %parallel_loop3A_444 : vector<16xf32>
        %parallel_loop3A_446 = arith.mulf %parallel_loop3A_435, %parallel_loop3A_445 : vector<16xf32>
        %parallel_loop3A_447 = arith.mulf %parallel_loop3A_446, %parallel_loop3A_445 : vector<16xf32>
        %parallel_loop3A_448 = arith.subf %parallel_loop3A_437, %parallel_loop3A_447 : vector<16xf32>
        %parallel_loop3A_449 = arith.mulf %parallel_loop3A_445, %parallel_loop3A_448 : vector<16xf32>
        %parallel_loop3A_450 = arith.mulf %parallel_loop3A_398, %parallel_loop3A_449 : vector<16xf32>
        %parallel_loop3A_451 = arith.constant 128 : i32
        %parallel_loop3A_452 = arith.muli %while3A_118, %parallel_loop3A_451 : i32
        %parallel_loop3A_453 = arith.constant 16 : i32
        %parallel_loop3A_454 = arith.muli %parallel_loop3A_152, %parallel_loop3A_453 : i32
        %parallel_loop3A_455 = arith.addi %parallel_loop3A_452, %parallel_loop3A_454 : i32
        %parallel_loop3A_456 = arith.index_cast %parallel_loop3A_455 : i32 to index
        %parallel_loop3A_457 = tpu.vector_load %arg17[%parallel_loop3A_456] {strides = array<i32>} : memref<3344xf32, #tpu.memory_space<vmem>>, vector<16xf32>,
        %parallel_loop3A_458 = arith.subf %parallel_loop3A_424, %parallel_loop3A_450 : vector<16xf32>
        %parallel_loop3A_459 = arith.addf %parallel_loop3A_458, %parallel_loop3A_457 : vector<16xf32>
        %parallel_loop3A_460 = arith.maximumf %parallel_loop3A_459, %broadcast_in_dim3A_1 : vector<16xf32>
        %parallel_loop3A_461 = arith.addf %parallel_loop3A_153, %parallel_loop3A_460 : vector<16xf32>
        scf.yield %parallel_loop3A_461 : vector<16xf32>
      } {sc.loop_unroll_factor = 2 : i64, sc.parallel_access}
      scf.yield %parallel_loop3A_151 : vector<16xf32>
    }
    %swap3A_105 = arith.constant 0 : i32
    %swap3A_106 = arith.index_cast %swap3A_105 : i32 to index
    %swap3A_107 = arith.constant 0 : index
    %swap3A_108 = tpu.vector_load %arg21[%swap3A_106, %swap3A_107] {strides = array<i32>} : memref<2x16xf32, #tpu.memory_space<vmem>>, vector<16xf32>,
    tpu.vector_store %arg21[%swap3A_106, %swap3A_107], %while3A_104 {strides = array<i32>} : memref<2x16xf32, #tpu.memory_space<vmem>>, vector<16xf32>,
    %broadcast_in_dim3A_109 = arith.constant 1.000000e+00 : f32
    %broadcast_in_dim3A_110 = vector.broadcast %broadcast_in_dim3A_109 : f32 to vector<16xf32>
    %convert_element_type3A_111 = arith.sitofp %parallel_loop3A_9 : i32 to f32
    %mul3A_112 = vector.broadcast %convert_element_type3A_111 : f32 to vector<16xf32>
    %mul3A_113 = arith.mulf %broadcast_in_dim3A_110, %mul3A_112 : vector<16xf32>
    %swap3A_114 = arith.constant 1 : i32
    %swap3A_115 = arith.index_cast %swap3A_114 : i32 to index
    %swap3A_116 = arith.constant 0 : index
    %swap3A_117 = tpu.vector_load %arg21[%swap3A_115, %swap3A_116] {strides = array<i32>} : memref<2x16xf32, #tpu.memory_space<vmem>>, vector<16xf32>,
    tpu.vector_store %arg21[%swap3A_115, %swap3A_116], %mul3A_113 {strides = array<i32>} : memref<2x16xf32, #tpu.memory_space<vmem>>, vector<16xf32>,
    "tpu.region"() ({
      %run_scoped3A = tpu.sem_alloc : memref<!tpu.dma_semaphore, #tpu.memory_space<semaphore_mem>>
      %dma_start3A = arith.constant 0 : i32
      %dma_start3A_118 = arith.constant 0 : i32
      %dma_start3A_119 = tpu.memref_slice %arg8[%add3A, %dma_start3A, %dma_start3A_118] : memref<32x2x16xf32, #tpu.memory_space<hbm>> -> memref<1x2x16xf32, #tpu.memory_space<hbm>>
      %dma_start3A_120 = tpu.memref_squeeze %dma_start3A_119 : memref<1x2x16xf32, #tpu.memory_space<hbm>> -> memref<2x16xf32, #tpu.memory_space<hbm>>
      %dma_start3A_121 = arith.constant 0 : i32
      %dma_start3A_122 = arith.constant 0 : i32
      %dma_start3A_123 = tpu.memref_slice %arg8[%add3A, %dma_start3A_121, %dma_start3A_122] : memref<32x2x16xf32, #tpu.memory_space<hbm>> -> memref<1x2x16xf32, #tpu.memory_space<hbm>>
      %dma_start3A_124 = tpu.memref_squeeze %dma_start3A_123 : memref<1x2x16xf32, #tpu.memory_space<hbm>> -> memref<2x16xf32, #tpu.memory_space<hbm>>
      tpu.enqueue_dma source(%arg21 : memref<2x16xf32, #tpu.memory_space<vmem>>) target(%dma_start3A_124 : memref<2x16xf32, #tpu.memory_space<hbm>>) target_semaphore(%run_scoped3A : memref<!tpu.dma_semaphore, #tpu.memory_space<semaphore_mem>>)
      %dma_wait3A = arith.constant 0 : i32
      %dma_wait3A_125 = arith.constant 0 : i32
      %dma_wait3A_126 = tpu.memref_slice %arg8[%add3A, %dma_wait3A, %dma_wait3A_125] : memref<32x2x16xf32, #tpu.memory_space<hbm>> -> memref<1x2x16xf32, #tpu.memory_space<hbm>>
      %dma_wait3A_127 = tpu.memref_squeeze %dma_wait3A_126 : memref<1x2x16xf32, #tpu.memory_space<hbm>> -> memref<2x16xf32, #tpu.memory_space<hbm>>
      %dma_wait3A_128 = arith.constant 0 : i32
      %dma_wait3A_129 = arith.constant 0 : i32
      %dma_wait3A_130 = tpu.memref_slice %arg8[%add3A, %dma_wait3A_128, %dma_wait3A_129] : memref<32x2x16xf32, #tpu.memory_space<hbm>> -> memref<1x2x16xf32, #tpu.memory_space<hbm>>
      %dma_wait3A_131 = tpu.memref_squeeze %dma_wait3A_130 : memref<1x2x16xf32, #tpu.memory_space<hbm>> -> memref<2x16xf32, #tpu.memory_space<hbm>>
      tpu.wait_dma2 semaphore(%run_scoped3A : memref<!tpu.dma_semaphore, #tpu.memory_space<semaphore_mem>>) src(%arg21 : memref<2x16xf32, #tpu.memory_space<vmem>>) dst(%dma_wait3A_131 : memref<2x16xf32, #tpu.memory_space<hbm>>)
      tpu.yield
    }) : () -> ()
    return
  }
}

</mosaic_0001>

<sc_bundles>
// kernel: kernel.5.cloned.1.call-start
scs
__scs_entry_jumppad:
0x0: {  	(pc) =	sbr.rel $0x88, $3  }
0x1: {  	(tag) =	ssettag $0x0;
	lr =	simm.s32 $0x1  }
0x2: {  	[smem:$0x3F9E] =	sst lr;
	_ =	strace $0xD0000000  }
0x3: {  	_ = 	snop  }
0x4: {  	_ = 	snop  }
0x5: {  	_ = 	snop  }
0x6: {  	_ = 	snop  }
0x7: {  	_ = 	snop  }
__scs_overlays_trampoline_lowered:
0x8: {  	[smem:$0x3FAD] =	sst s0  }
0x9: {  	[smem:$0x3FAE] =	sst s1  }
0xa: {  	[smem:$0x3FAF] =	sst s2  }
0xb: {  	[smem:$0x3FB0] =	sst s3  }
0xc: {  	[smem:$0x3FB1] =	sst s4  }
0xd: {  	[smem:$0x3FB2] =	sst s5  }
0xe: {  	[smem:$0x3FB3] =	sst s6  }
0xf: {  	[smem:$0x3FB4] =	sst s7  }
0x10: {  	[smem:$0x3FB5] =	sst s8  }
0x11: {  	[smem:$0x3FB6] =	sst s9;
	s0 =	simm.s32 @!p0 $0x0  }
0x12: {  	s1 =	sld [smem:$0x3F9C];
	s0 =	simm.s32 @p0 $0x1  }
0x13: {  	[smem:$0x3FB7] =	sst s0;
	s0 =	simm.s32 @!p1 $0x0  }
0x14: {  	s2 =	sld [smem:$0x3F9B];
	s0 =	simm.s32 @p1 $0x1  }
0x15: {  	[smem:$0x3FB8] =	sst s0;
	s0 =	simm.s32 @!p2 $0x0  }
0x16: {  	s3 =	sld [smem:$0x3FDB];
	s0 =	simm.s32 @p2 $0x1  }
0x17: {  	s4 =	simm.s32 $0x1BF5;
	[smem:$0x3FBA] =	sst s0  }
0x18: {  	s0 =	sld [smem:$0x3F9D];
	_ =	swait.ge [sflag:s4], $0x0  }
0x19: {  	s7 =	sld [smem:$0x3F9E]  }
0x1a: {  	s8 =	sadd.s32 $0xFFFFE003, lr  }
0x1b: {  	s9 =	sadd.s32 $0xFFFFFEF7, lr;
	s5 =	simm.s32 $0xFFFFFFFF;
	p2 =	slt.u32 s8, $0xFFFFF086  }
0x1c: {  	p1 =	slt.u32 s9, $0xF7A;
	s5 =	simm.s32 @!p2 $0x0  }
0x1d: {  	s5 =	simm.s32 @p1 $0x1;
	p0 =	seq.s32 s7, s2  }
0x1e: {  	s7 =	smul.u32 @!p0 $0xF7A, s2;
	p2 =	seq.s32 @!p0 s5, $0x0  }
0x1f: {  	s9 =	smul.u32 $0xF7A, s1;
	s8 =	simm.s32 @!p0 $0x1BF5;
	p2 =	por !p2, p0  }
0x20: {  	[sflag:s8] =	ssyncset.s32 @!p0 $0xFFFFF086;
	s6 =	sadd.s32 @!p0 s3, s7;
	s7 =	simm.s32 @!p0 $0x108  }
0x21: {  	s3 =	sadd.s32 s3, s9;
	s6 =	sadd.s32 @!p0 $0x88, s6;
	s7 =	simm.s32 @p2 $0x1082  }
0x22: {  	[simem:s7], [sflag:s8] =	dma.local @!p0 [hbm:s6], $0xF7A  }
0x23: {  	s9 =	sor.u32 $0xD0000000, s2;
	s6 =	simm.s32 $0x108;
	_ =	swait.ge @!p0 [sflag:s8], $0x0  }
0x24: {  	s3 =	sadd.s32 $0x88, s3;
	s6 =	simm.s32 @!p1 $0x1082;
	[sflag:s4] =	ssyncset.s32 $0xFFFFF086  }
0x25: {  	[simem:s6], [sflag:s4] =	dma.local [hbm:s3], $0xF7A  }
0x26: {  	[smem:$0x3F9E] =	sst s1;
	(tag) =	ssettag s2;
	_ =	strace s9  }
0x27: {  	s1 =	sld [smem:$0x3FAE]  }
0x28: {  	s2 =	sld [smem:$0x3FAF]  }
0x29: {  	s4 =	sld [smem:$0x3FB1]  }
0x2a: {  	p0 =	seq.s32 s5, $0x0;
	s5 =	sld [smem:$0x3FB2]  }
0x2b: {  	s6 =	sld [smem:$0x3FB3]  }
0x2c: {  	s7 =	sld [smem:$0x3FB4]  }
0x2d: {  	s3 =	simm.s32 $0x108;
	s8 =	sld [smem:$0x3FB5]  }
0x2e: {  	s3 =	simm.s32 @!p0 $0x1082;
	s9 =	sld [smem:$0x3FB6]  }
0x2f: {  	lr =	sadd.s32 s0, s3;
	s0 =	sld [smem:$0x3FAD]  }
0x30: {  	s3 =	sld [smem:$0x3FB0]  }
0x31: {  	[smem:$0x3FB9] =	sst s10  }
0x32: {  	s10 =	sld [smem:$0x3FB7];
	_ =	sdelay $0x3  }
0x33: {  	p0 =	seq.s32 s10, $0x1;
	s10 =	sld [smem:$0x3FB9];
	_ =	sdelay $0x3  }
0x34: {  	[smem:$0x3FB9] =	sst s10  }
0x35: {  	s10 =	sld [smem:$0x3FB8];
	_ =	sdelay $0x3  }
0x36: {  	p1 =	seq.s32 s10, $0x1;
	s10 =	sld [smem:$0x3FB9];
	_ =	sdelay $0x3  }
0x37: {  	[smem:$0x3FB9] =	sst s10  }
0x38: {  	s10 =	sld [smem:$0x3FBA]  }
0x39: {  	_ = 	snop;
	(pc) =	sbr.ind lr, $3  }
0x3a: {  	_ = 	snop  }
0x3b: {  	_ = 	snop  }
0x3c: {  	p2 =	seq.s32 s10, $0x1;
	s10 =	sld [smem:$0x3FB9]  }
0x3d: {  	_ =	shalt  }
0x3e: {  	_ =	shalt  }
0x3f: {  	_ =	shalt  }
0x40: {  	_ =	shalt  }
0x41: {  	_ =	shalt  }
0x42: {  	_ =	shalt  }
0x43: {  	_ =	shalt  }
0x44: {  	_ =	shalt  }
0x45: {  	_ =	shalt  }
0x46: {  	_ =	shalt  }
0x47: {  	_ =	shalt  }
0x48: {  	_ =	shalt  }
0x49: {  	_ =	shalt  }
0x4a: {  	_ =	shalt  }
0x4b: {  	_ =	shalt  }
0x4c: {  	_ =	shalt  }
0x4d: {  	_ =	shalt  }
0x4e: {  	_ =	shalt  }
0x4f: {  	_ =	shalt  }
0x50: {  	_ =	shalt  }
0x51: {  	_ =	shalt  }
0x52: {  	_ =	shalt  }
0x53: {  	_ =	shalt  }
0x54: {  	_ =	shalt  }
0x55: {  	_ =	shalt  }
0x56: {  	_ =	shalt  }
0x57: {  	_ =	shalt  }
0x58: {  	_ =	shalt  }
0x59: {  	_ =	shalt  }
0x5a: {  	_ =	shalt  }
0x5b: {  	_ =	shalt  }
0x5c: {  	_ =	shalt  }
0x5d: {  	_ =	shalt  }
0x5e: {  	_ =	shalt  }
0x5f: {  	_ =	shalt  }
0x60: {  	_ =	shalt  }
0x61: {  	_ =	shalt  }
0x62: {  	_ =	shalt  }
0x63: {  	_ =	shalt  }
0x64: {  	_ =	shalt  }
0x65: {  	_ =	shalt  }
0x66: {  	_ =	shalt  }
0x67: {  	_ =	shalt  }
0x68: {  	_ =	shalt  }
0x69: {  	_ =	shalt  }
0x6a: {  	_ =	shalt  }
0x6b: {  	_ =	shalt  }
0x6c: {  	_ =	shalt  }
0x6d: {  	_ =	shalt  }
0x6e: {  	_ =	shalt  }
0x6f: {  	_ =	shalt  }
0x70: {  	_ =	shalt  }
0x71: {  	_ =	shalt  }
0x72: {  	_ =	shalt  }
0x73: {  	_ =	shalt  }
0x74: {  	_ =	shalt  }
0x75: {  	_ =	shalt  }
0x76: {  	_ =	shalt  }
0x77: {  	_ =	shalt  }
0x78: {  	_ =	shalt  }
0x79: {  	_ =	shalt  }
0x7a: {  	_ =	shalt  }
0x7b: {  	_ =	shalt  }
0x7c: {  	_ =	shalt  }
0x7d: {  	_ =	shalt  }
0x7e: {  	_ =	shalt  }
0x7f: {  	_ =	shalt  }
0x80: {  	_ =	shalt  }
0x81: {  	_ =	shalt  }
0x82: {  	_ =	shalt  }
0x83: {  	_ =	shalt  }
0x84: {  	_ =	shalt  }
0x85: {  	_ =	shalt  }
0x86: {  	_ =	shalt  }
0x87: {  	_ =	shalt  }
.Lfunc_end0:
.L_simem_size_0:
called_computation_lowered:
.L_overlay_start_0:
0x88: {  	s2 =	sld [smem:$0x3FD9]  }
0x89: {  	s3 =	sld [smem:$0x3FFE];
	_ =	sdelay $0x1  }
0x8a: {  	s1 =	srdreg.scid  }
0x8b: {  	s0 =	sand.u32 $0x1, s1  }
0x8c: {  	s16 =	sshll.u32 s0, $0xA;
	s2 =	sadd.s32 s3, s2  }
0x8d: {  	s2 =	sadd.s32 s2, s16  }
0x8e: {  	[smem:$0x3FC5] =	sst s2  }
0x8f: {  	_ = 	snop  }
0x90: {  	(tm) =	ssettm $0x1  }
0x91: {  	s17 =	sld [smem:$0x3FFB];
	_ =	sdelay $0x3  }
0x92: {  	_ =	strace s17  }
0x93: {  	s2 =	sld [smem:$0x3FFC];
	_ =	sdelay $0x3  }
0x94: {  	_ =	strace s2  }
0x95: {  	s2 =	sld [smem:$0x3FFD];
	_ =	sdelay $0x3  }
0x96: {  	_ =	strace s2  }
0x97: {  	_ =	strace $0x8FFFFFFF  }
0x98: {  	s18 =	sld [smem:$0x3FDB];
	_ =	sdelay $0x1  }
0x99: {  	s19 =	simm.s32 $_scs_section_size  }
0x9a: {  	s4 =	simm.s32 $_size__tile_overlayer_lowered;
	s5 =	simm.s32 $_tile_overlayer_lowered  }
0x9b: {  	s22 =	simm.s32 $0x1BFF;
	s21 =	sshll.u32 s5, $0x1;
	s2 =	sadd.s32 s19, s18  }
0x9c: {  	s6 =	simm.s32 $0x0;
	s20 =	sshll.u32 s4, $0x1;
	s4 =	sadd.s32 s21, s2  }
0x9d: {  	[timem:s6], [sflag:s22] =	dma.local [hbm:s4], s20  }
0x9e: {  	_ =	swait.ge [sflag:s22], s20  }
0x9f: {  	s3 =	ssub.s32 $0x0, s20;
	[sflag:s22] =	ssyncset.done $0x0  }
0xa0: {  	[sflag:s22] =	ssyncadd.s32 s3;
	_ =	sdelay $0x1  }
0xa1: {  	s23 =	simm.s32 $0x1B8B  }
0xa2: {  	_ =	swait.ge [sflag:s23], $0x1  }
0xa3: {  	[sflag:s23] =	ssyncset.done $0x0  }
0xa4: {  	s25 =	simm.s32 $0x1B8E;
	s24 =	sld [smem:$0x3FFE];
	[sflag:s23] =	ssyncadd.s32 $0xFFFFFFFF  }
0xa5: {  	s26 =	simm.s32 $execute0_lowered;
	[smem:$0x3FD2] =	sst s25  }
0xa6: {  	s4 =	sshll.u32 s26, $0x1;
	_ =	strace $0x80000046;
	[dreg:$0x1] =	wrdreg $0xFFFFFFFF  }
0xa7: {  	s28 =	simm.s32 $_size_execute0_lowered;
	s2 =	sadd.s32 s2, s4;
	[dreg:$0x0] =	wrdreg $0x0  }
0xa8: {  	s4 =	sshll.u32 s28, $0x1;
	[dreg:$0x2] =	wrdreg s2  }
0xa9: {  	[dreg:$0x3] =	wrdreg s4  }
0xaa: {  	[dreg:$0x4] =	wrdreg $0xC0  }
0xab: {  	_ =	task [dreg:s6], $0x5FFFF  }
0xac: {  	[dreg:$0x1] =	wrdreg $0xFFFFFFFF  }
0xad: {  	[dreg:$0x0] =	wrdreg $0x60  }
0xae: {  	[dreg:$0x2] =	wrdreg s24  }
0xaf: {  	[dreg:$0x3] =	wrdreg $0x9  }
0xb0: {  	_ =	task.clear_ibuf [dreg:s6], $0x4FFFF;
	_ =	strace $0x90000046  }
0xb1: {  	s29 =	simm.s32 $0x9;
	_ =	strace $0x80000048  }
0xb2: {  	_ =	swait.ge [sflag:s29], $0x1  }
0xb3: {  	[sflag:s29] =	ssyncadd.s32 $0xFFFFFFFF  }
0xb4: {  	_ =	strace $0x90000048  }
0xb5: {  	_ =	sfence  }
0xb6: {  	s30 =	sld [smem:$0x0];
	_ =	sdelay $0x2  }
0xb7: {  	s31 =	sshll.u32 s1, $0xD;
	s1 =	sshrl.u32 s1, $0x2  }
0xb8: {  	s3 =	sand.u32 $0x4000, s31;
	s1 =	sadd.s32 s1, s30  }
0xb9: {  	s0 =	sor.u32 s3, s0;
	s1 =	sshll.u32 s1, $0x11  }
0xba: {  	s0 =	sor.u32 s1, s0  }
0xbb: {  	s0 =	sadd.s32 $0x8F2B, s0  }
0xbc: {  	[sflag:s0] =	ssyncadd.remote.s32 $0x1  }
0xbd: {  	_ =	sfence.sel $0xFFFF  }
0xbe: {  	[dreg:$0x0] =	wrdreg $0xFFFFFFFF;
	(pc) =	sbr.abs _section_cstart, $3  }
0xbf: {  	[dreg:$0x1] =	wrdreg $0xFFFFFFFF  }
0xc0: {  	_ =	task.clear_ibuf [dreg:s6], $0x2FFFF;
	_ =	strace $0x9FFFFFFF  }
0xc1: {  	(tm) =	ssettm $0x7FFFFFFF  }
tec
execute0_lowered:
.L_overlay_start_1:
0x0: {  	(tag) =	ssettag $0x1  }
0x1: {  	s0 =	srdreg.scid  }
0x2: {  	s4 =	sand.u32 $0x1, s0  }
0x3: {  	s0 =	stileid.u32;
	s1 =	sshll.u32 s4, $0x4  }
0x4: {  	s7 =	rddreg [dreg:$0x0];
	s2 =	simm.s32 $0x0;
	s5 =	sor.u32 s0, s1  }
0x5: {  	[smem:$0x7FF] =	sst s2;
	s3 =	smul.u32 $0x190, s5  }
0x6: {  	s4 =	ssub.s32 $0x2, s4;
	s1 =	rddreg [dreg:$0x1]  }
0x7: {  	_ =	strace $0x80000047;
	s8 =	sshrl.u32 s4, $0x1;
	s3 =	sadd.s32 s3, s7  }
0x8: {  	s4 =	ssub.s32 s4, s8;
	s6 =	sadd.s32 $0x9000, s3;
	s3 =	simm.s32 $0x1  }
0x9: {  	[tilespmem:s2], [sflag:$0x1] =	stream.linear.gather [hbm4b:s6+s2], $0xC80, $0x38;
	[tilespmem:$0x40E0] =	vst v63  }
0xa: {  	s8 =	smax.u32 s4, $0x1;
	_ =	swait.ge [sflag:s3], $0xC80  }
0xb: {  	p0 =	sne.s32 s8, $0x1;
	[sflag:s3] =	ssyncset.done $0x0  }
.Ltmp0:
0xc: {  	v0 =	vimm.f32 $0.0e+00;
	[sflag:s3] =	ssyncadd.s32 $0xFFFFF380;
	(pc) =	sbr.rel @!p0 .LBB2_2-.Ltmp0, $4  }
0xd: {  	[tilespmem:$0x40D0] =	vst v0  }
0xe: {  	s5 =	sshll.u32 s5, $0x2;
	[tilespmem:$0x40C0] =	vst v0  }
0xf: {  	v1 =	vimm.s32 $0x0;
	s31 =	sadd.s32 s5, s7;
	[tilespmem:$0x3420] =	vst v0  }
0x10: {  	s5 =	simm.s32 $0x40C0;
	s4 =	sadd.s32 $0x12600, s31;
	s7 =	sadd.s32 $0xFFFFFFFF, s8;
	[tilespmem:$0x2710] =	vst v1  }
.LBB2_1:
0x11: {  	p0 =	sne.s32 s7, $0x1;
	s7 =	sadd.s32 $0xFFFFFFFF, s7;
	[tilespmem:$0x1A00] =	vst v1  }
0x12: {  	[tilespmem:$0xCF0] =	vst v1  }
0x13: {  	[tilespmem:$0x3410] =	vst v0  }
0x14: {  	[tilespmem:$0x2700] =	vst v1  }
0x15: {  	[tilespmem:$0x19F0] =	vst v1  }
0x16: {  	[tilespmem:$0xCE0] =	vst v1  }
0x17: {  	[tilespmem:$0x3400] =	vst v0  }
0x18: {  	[tilespmem:$0x26F0] =	vst v1  }
0x19: {  	[tilespmem:$0x19E0] =	vst v1  }
0x1a: {  	[tilespmem:$0xCD0] =	vst v1  }
0x1b: {  	[tilespmem:$0x33F0] =	vst v0  }
0x1c: {  	[tilespmem:$0x26E0] =	vst v1  }
0x1d: {  	[tilespmem:$0x19D0] =	vst v1  }
0x1e: {  	[tilespmem:$0xCC0] =	vst v1  }
0x1f: {  	[tilespmem:$0x33E0] =	vst v0  }
0x20: {  	[tilespmem:$0x26D0] =	vst v1  }
0x21: {  	[tilespmem:$0x19C0] =	vst v1  }
0x22: {  	[tilespmem:$0xCB0] =	vst v1  }
0x23: {  	[tilespmem:$0x33D0] =	vst v0  }
0x24: {  	[tilespmem:$0x26C0] =	vst v1  }
0x25: {  	[tilespmem:$0x19B0] =	vst v1  }
0x26: {  	[tilespmem:$0xCA0] =	vst v1  }
0x27: {  	[tilespmem:$0x33C0] =	vst v0  }
0x28: {  	[tilespmem:$0x26B0] =	vst v1  }
0x29: {  	[tilespmem:$0x19A0] =	vst v1  }
0x2a: {  	[tilespmem:$0xC90] =	vst v1  }
0x2b: {  	[tilespmem:$0x33B0] =	vst v0  }
0x2c: {  	[tilespmem:$0x26A0] =	vst v1  }
0x2d: {  	[tilespmem:$0xC80] =	vst v1  }
0x2e: {  	[tilespmem:$0x1990] =	vst v1  }
0x2f: {  	[hbm4b:s4+s2] =	stream.linear.scatter [tilespmem:s5], [sflag:$0x1], $0x20, $0x38;
	[tilespmem:$0x40E0] =	vst v63  }
0x30: {  	_ =	swait.ge [sflag:s3], $0x20  }
0x31: {  	[sflag:s3] =	ssyncset.done $0x0  }
0x32: {  	[sflag:s3] =	ssyncadd.s32 $0xFFFFFFE0  }
0x33: {  	[tilespmem:s2], [sflag:$0x1] =	stream.linear.gather [hbm4b:s6+s2], $0xC80, $0x38;
	[tilespmem:$0x40E0] =	vst v63  }
0x34: {  	_ =	swait.ge [sflag:s3], $0xC80  }
0x35: {  	[sflag:s3] =	ssyncset.done $0x0  }
.Ltmp1:
0x36: {  	[sflag:s3] =	ssyncadd.s32 $0xFFFFF380;
	(pc) =	sbr.rel @p0 .LBB2_1-.Ltmp1, $4  }
0x37: {  	[tilespmem:$0x40D0] =	vst v0  }
0x38: {  	[tilespmem:$0x40C0] =	vst v0  }
0x39: {  	[tilespmem:$0x3420] =	vst v0  }
0x3a: {  	[tilespmem:$0x2710] =	vst v1  }
.LBB2_2:
0x3b: {  	[tilespmem:$0x1A00] =	vst v1  }
0x3c: {  	[tilespmem:$0xCF0] =	vst v1  }
0x3d: {  	[tilespmem:$0x3410] =	vst v0  }
0x3e: {  	[tilespmem:$0x2700] =	vst v1  }
0x3f: {  	[tilespmem:$0x19F0] =	vst v1  }
0x40: {  	[tilespmem:$0xCE0] =	vst v1  }
0x41: {  	[tilespmem:$0x3400] =	vst v0  }
0x42: {  	[tilespmem:$0x26F0] =	vst v1  }
0x43: {  	[tilespmem:$0x19E0] =	vst v1  }
0x44: {  	[tilespmem:$0xCD0] =	vst v1  }
0x45: {  	[tilespmem:$0x33F0] =	vst v0  }
0x46: {  	[tilespmem:$0x26E0] =	vst v1  }
0x47: {  	[tilespmem:$0x19D0] =	vst v1  }
0x48: {  	[tilespmem:$0xCC0] =	vst v1  }
0x49: {  	[tilespmem:$0x33E0] =	vst v0  }
0x4a: {  	[tilespmem:$0x26D0] =	vst v1  }
0x4b: {  	[tilespmem:$0x19C0] =	vst v1  }
0x4c: {  	[tilespmem:$0xCB0] =	vst v1  }
0x4d: {  	[tilespmem:$0x33D0] =	vst v0  }
0x4e: {  	[tilespmem:$0x26C0] =	vst v1  }
0x4f: {  	[tilespmem:$0x19B0] =	vst v1  }
0x50: {  	[tilespmem:$0xCA0] =	vst v1  }
0x51: {  	[tilespmem:$0x33C0] =	vst v0  }
0x52: {  	[tilespmem:$0x26B0] =	vst v1  }
0x53: {  	[tilespmem:$0x19A0] =	vst v1  }
0x54: {  	[tilespmem:$0xC90] =	vst v1  }
0x55: {  	[tilespmem:$0x33B0] =	vst v0  }
0x56: {  	[tilespmem:$0x26A0] =	vst v1  }
0x57: {  	[tilespmem:$0xC80] =	vst v1  }
0x58: {  	[tilespmem:$0x1990] =	vst v1  }
0x59: {  	[hbm4b:s4+s2] =	stream.linear.scatter [tilespmem:s5], [sflag:$0x1], $0x20, $0x38;
	[tilespmem:$0x40E0] =	vst v63  }
0x5a: {  	_ =	swait.ge [sflag:s3], $0x20  }
0x5b: {  	[sflag:s3] =	ssyncset.done $0x0  }
0x5c: {  	[sflag:s3] =	ssyncadd.s32 $0xFFFFFFE0  }
0x5d: {  	_ =	sfence.sel $0x180000  }
0x5e: {  	[bflag:$0x0] =	sbarrier.arrive $0xFFFF  }
0x5f: {  	p0 =	sne.s32 s0, $0x0;
	_ =	strace $0x90000047  }
0x60: {  	s0 =	sadd.s32 @!p0 $0x100000, s1;
	[bflag:$0x2] =	sbarrier.arrive $0xFFFF  }
0x61: {  	[sflag:s0] =	ssyncadd.tile.s32 @!p0 $0x1;
	_ =	shalt  }
.Lfunc_end2:
_tile_overlayer_lowered:
.L_overlay_start_2:
0x62: {  	(tag) =	ssettag $0x2  }
0x63: {  	s0 =	rddreg [dreg:$0x0];
	s2 =	stileid.u32  }
0x64: {  	s1 =	rddreg [dreg:$0x1];
	p0 =	sne.s32 s2, $0x0  }
0x65: {  	s3 =	rddreg [dreg:$0x2];
	[bflag:$0x3] =	sbarrier.arrive $0xFFFF;
	s2 =	simm.s32 @!p0 $0x1C01  }
0x66: {  	[timem:s3], [sflag:s2] =	dma.local @!p0 [hbm:s0], s1  }
0x67: {  	s0 =	simm.s32 @!p0 $0x1  }
0x68: {  	_ =	swait.ge @!p0 [sflag:s0], s1  }
0x69: {  	s1 =	ssub.s32 @!p0 $0x0, s1;
	[sflag:s0] =	ssyncset.done @!p0 $0x0  }
0x6a: {  	[sflag:s0] =	ssyncadd.s32 @!p0 s1  }
0x6b: {  	[bflag:$0x3] =	sbarrier.arrive $0xFFFF  }
0x6c: {  	_ =	shalt  }

</sc_bundles>
